<compile_context>
chip_gen: v7x
topology: tpu7x:2x2x1
jax: 0.10.2.dev20260603
libtpu: 0.0.44.dev20260713+nightly
codegen_flags: <defaults>
</compile_context>

<pallas_src>
import math

import jax
import jax.numpy as jnp
import numpy as np
from jax import lax
from jax.experimental import pallas as pl
from jax.experimental.pallas import tpu as pltpu

_N = 224
_HW = _N * _N
_B = 4
_CIN = 192
_CMID = 16
_NBINS = 180
_BW = math.radians(15.0)
_HFR = 0.3
_ALPHA = 1.2
_BETA = 0.8
_PI = math.pi

_DOT_PREC = jax.lax.Precision.HIGHEST


def _build_dft():
    N = _N
    j = np.arange(N)
    F = np.exp(-2j * np.pi * np.outer(j, j) / N) / np.sqrt(N)
    Fs = np.roll(F, N // 2, axis=0)
    Fsr = Fs.real.astype(np.float32)
    Fsi = Fs.imag.astype(np.float32)
    return Fsr, Fsi, Fsr.T.copy(), Fsi.T.copy()


(_FSR, _FSI, _FSRT, _FSIT) = _build_dft()


def _build_grids():
    N = _N
    cy, cx = N // 2, N // 2
    y, x = jnp.meshgrid(jnp.arange(N), jnp.arange(N), indexing="ij")
    dy = (y - cy).astype(jnp.float32)
    dx = (x - cx).astype(jnp.float32)
    r = jnp.sqrt(dy ** 2 + dx ** 2)
    theta = jnp.arctan2(dy, dx) + _PI
    r_max = float(min(cy, cx))
    high = (r > _HFR * r_max).astype(jnp.float32)

    theta_m = theta % _PI
    edges = jnp.linspace(0.0, _PI, _NBINS + 1)
    bin_idx = jnp.clip(
        jnp.searchsorted(edges, theta_m.reshape(-1), side="left") - 1,
        0, _NBINS - 1)
    m_mat = jnp.zeros((_HW, _NBINS), jnp.float32).at[
        jnp.arange(_HW), bin_idx].set(high.reshape(-1) / _CMID)
    centers = ((edges[:-1] + edges[1:]) / 2.0).reshape(1, _NBINS)
    return theta, high, m_mat, centers


def _proj_in_kernel(x_ref, w_ref, o_ref):
    o_ref[0] = jnp.dot(w_ref[...], x_ref[0], preferred_element_type=jnp.float32,
                       precision=_DOT_PREC)


def _fft_kernel(xp_ref, fsr_ref, fsi_ref, fsrt_ref, fsit_ref,
                sr_ref, si_ref, msum_ref):
    xp = xp_ref[0, 0]
    fsr = fsr_ref[...]
    fsi = fsi_ref[...]
    tr = jnp.dot(fsr, xp, preferred_element_type=jnp.float32, precision=_DOT_PREC)
    ti = jnp.dot(fsi, xp, preferred_element_type=jnp.float32, precision=_DOT_PREC)
    fsrt = fsrt_ref[...]
    fsit = fsit_ref[...]
    sr = (jnp.dot(tr, fsrt, preferred_element_type=jnp.float32, precision=_DOT_PREC)
          - jnp.dot(ti, fsit, preferred_element_type=jnp.float32, precision=_DOT_PREC))
    si = (jnp.dot(tr, fsit, preferred_element_type=jnp.float32, precision=_DOT_PREC)
          + jnp.dot(ti, fsrt, preferred_element_type=jnp.float32, precision=_DOT_PREC))
    sr_ref[0, 0] = sr
    si_ref[0, 0] = si
    mag = jnp.sqrt(sr * sr + si * si)
    o = pl.program_id(1)

    @pl.when(o == 0)
    def _():
        msum_ref[0] = mag

    @pl.when(o != 0)
    def _():
        msum_ref[0] = msum_ref[0] + mag


def _hist_kernel(w_ref, m_ref, e_ref):
    t = pl.program_id(0)

    @pl.when(t == 0)
    def _():
        e_ref[...] = jnp.zeros_like(e_ref)

    e_ref[...] = e_ref[...] + jnp.dot(
        w_ref[...], m_ref[...], preferred_element_type=jnp.float32,
        precision=_DOT_PREC)


def _argmax_rows(e):
    m = jnp.max(e, axis=1, keepdims=True)
    iota = lax.broadcasted_iota(jnp.int32, e.shape, 1)
    return jnp.min(jnp.where(e == m, iota, jnp.int32(2 ** 30)), axis=1,
                   keepdims=True)


def _gather_rows(centers, idx):
    iota = lax.broadcasted_iota(jnp.int32, (idx.shape[0], centers.shape[1]), 1)
    sel = jnp.where(iota == idx, centers, 0.0)
    return jnp.sum(sel, axis=1, keepdims=True)


def _peaks_kernel(e_ref, c_ref, p_ref):
    e = e_ref[...]
    zero_col = jnp.zeros((e.shape[0], 1), dtype=e.dtype)
    leftpad = jnp.concatenate([zero_col, e[:, :-1]], axis=1)
    rightpad = jnp.concatenate([e[:, 1:], zero_col], axis=1)
    es = 0.25 * leftpad + 0.5 * e + 0.25 * rightpad
    left = jnp.concatenate([es[:, -1:], es[:, :-1]], axis=1)
    right = jnp.concatenate([es[:, 1:], es[:, :1]], axis=1)
    mean_e = jnp.mean(es, axis=1, keepdims=True)
    mask = (es > mean_e) & (es > left) & (es > right)
    neg_inf = jnp.float32(-jnp.inf)
    score = jnp.where(mask, es, neg_inf)
    idx1 = _argmax_rows(score)
    iota = lax.broadcasted_iota(jnp.int32, score.shape, 1)
    score2 = jnp.where(iota == idx1, neg_inf, score)
    idx2 = _argmax_rows(score2)
    cnt = jnp.sum(mask.astype(jnp.int32), axis=1, keepdims=True)
    idx_fallback = _argmax_rows(es)
    centers = jnp.broadcast_to(c_ref[...], (e.shape[0], c_ref.shape[1]))
    p_fb = _gather_rows(centers, idx_fallback)
    p0 = jnp.where(cnt > 0, _gather_rows(centers, idx1), p_fb)
    p1 = jnp.where(cnt > 1, _gather_rows(centers, idx2), p0)
    p_ref[...] = jnp.concatenate([p0, p1], axis=1)


def _ifft_kernel(sr_ref, si_ref, pk_ref, th_ref, hi_ref,
                 fsr_ref, fsi_ref, fsrt_ref, fsit_ref, o_ref):
    theta = th_ref[...]
    high = hi_ref[...] > 0.5
    b = pl.program_id(0)
    p0 = pk_ref[b, 0]
    p1 = pk_ref[b, 1]
    d0 = jnp.abs(theta - p0)
    d0 = jnp.minimum(d0, _PI - d0)
    d1 = jnp.abs(theta - p1)
    d1 = jnp.minimum(d1, _PI - d1)
    enh = ((d0 <= _BW) | (d1 <= _BW)) & high
    gain = jnp.where(enh, jnp.float32(_ALPHA),
                     jnp.where(high, jnp.float32(_BETA), jnp.float32(1.0)))
    er = sr_ref[0, 0] * gain
    ei = si_ref[0, 0] * gain
    qr = fsrt_ref[...]
    qi = fsit_ref[...]
    ur = (jnp.dot(qr, er, preferred_element_type=jnp.float32, precision=_DOT_PREC)
          + jnp.dot(qi, ei, preferred_element_type=jnp.float32, precision=_DOT_PREC))
    ui = (jnp.dot(qr, ei, preferred_element_type=jnp.float32, precision=_DOT_PREC)
          - jnp.dot(qi, er, preferred_element_type=jnp.float32, precision=_DOT_PREC))
    o_ref[0, 0] = (
        jnp.dot(ur, fsr_ref[...], preferred_element_type=jnp.float32,
                precision=_DOT_PREC)
        + jnp.dot(ui, fsi_ref[...], preferred_element_type=jnp.float32,
                  precision=_DOT_PREC))


def _proj_out_kernel(xe_ref, w_ref, x_ref, o_ref):
    o_ref[0] = x_ref[0] + jnp.dot(
        w_ref[...], xe_ref[0], preferred_element_type=jnp.float32,
        precision=_DOT_PREC)


_TILE = 6272
_NT = _HW // _TILE


def kernel(x, W_in, W_out):
    B, C, H, W = x.shape
    xf = x.reshape(B, C, _HW)

    fsr = jnp.asarray(_FSR)
    fsi = jnp.asarray(_FSI)
    fsrt = jnp.asarray(_FSRT)
    fsit = jnp.asarray(_FSIT)
    theta, high, m_mat, centers = _build_grids()

    xp = pl.pallas_call(
        _proj_in_kernel,
        grid=(B, _NT),
        in_specs=[
            pl.BlockSpec((1, C, _TILE), lambda b, t: (b, 0, t)),
            pl.BlockSpec((_CMID, C), lambda b, t: (0, 0)),
        ],
        out_specs=pl.BlockSpec((1, _CMID, _TILE), lambda b, t: (b, 0, t)),
        out_shape=jax.ShapeDtypeStruct((B, _CMID, _HW), jnp.float32),
    )(xf, W_in)
    xp = xp.reshape(B, _CMID, H, W)

    full = pl.BlockSpec((_N, _N), lambda b, o: (0, 0))
    sr, si, msum = pl.pallas_call(
        _fft_kernel,
        grid=(B, _CMID),
        in_specs=[
            pl.BlockSpec((1, 1, _N, _N), lambda b, o: (b, o, 0, 0)),
            full, full, full, full,
        ],
        out_specs=[
            pl.BlockSpec((1, 1, _N, _N), lambda b, o: (b, o, 0, 0)),
            pl.BlockSpec((1, 1, _N, _N), lambda b, o: (b, o, 0, 0)),
            pl.BlockSpec((1, _N, _N), lambda b, o: (b, 0, 0)),
        ],
        out_shape=[
            jax.ShapeDtypeStruct((B, _CMID, _N, _N), jnp.float32),
            jax.ShapeDtypeStruct((B, _CMID, _N, _N), jnp.float32),
            jax.ShapeDtypeStruct((B, _N, _N), jnp.float32),
        ],
    )(xp, fsr, fsi, fsrt, fsit)

    energy = pl.pallas_call(
        _hist_kernel,
        grid=(_NT,),
        in_specs=[
            pl.BlockSpec((B, _TILE), lambda t: (0, t)),
            pl.BlockSpec((_TILE, _NBINS), lambda t: (t, 0)),
        ],
        out_specs=pl.BlockSpec((B, _NBINS), lambda t: (0, 0)),
        out_shape=jax.ShapeDtypeStruct((B, _NBINS), jnp.float32),
    )(msum.reshape(B, _HW), m_mat)

    peaks = pl.pallas_call(
        _peaks_kernel,
        in_specs=[
            pl.BlockSpec((B, _NBINS), lambda: (0, 0)),
            pl.BlockSpec((1, _NBINS), lambda: (0, 0)),
        ],
        out_specs=pl.BlockSpec((B, 2), lambda: (0, 0)),
        out_shape=jax.ShapeDtypeStruct((B, 2), jnp.float32),
    )(energy, centers)

    xe = pl.pallas_call(
        _ifft_kernel,
        grid=(B, _CMID),
        in_specs=[
            pl.BlockSpec((1, 1, _N, _N), lambda b, o: (b, o, 0, 0)),
            pl.BlockSpec((1, 1, _N, _N), lambda b, o: (b, o, 0, 0)),
            pl.BlockSpec((B, 2), lambda b, o: (0, 0)),
            full, full, full, full, full, full,
        ],
        out_specs=pl.BlockSpec((1, 1, _N, _N), lambda b, o: (b, o, 0, 0)),
        out_shape=jax.ShapeDtypeStruct((B, _CMID, _N, _N), jnp.float32),
    )(sr, si, peaks, theta, high, fsr, fsi, fsrt, fsit)

    out = pl.pallas_call(
        _proj_out_kernel,
        grid=(B, _NT),
        in_specs=[
            pl.BlockSpec((1, _CMID, _TILE), lambda b, t: (b, 0, t)),
            pl.BlockSpec((C, _CMID), lambda b, t: (0, 0)),
            pl.BlockSpec((1, C, _TILE), lambda b, t: (b, 0, t)),
        ],
        out_specs=pl.BlockSpec((1, C, _TILE), lambda b, t: (b, 0, t)),
        out_shape=jax.ShapeDtypeStruct((B, C, _HW), jnp.float32),
    )(xe.reshape(B, _CMID, _HW), W_out, xf)

    return out.reshape(B, C, H, W)

# --- scband reference (transcript-rebuilt; emitter-appended) ---
"""Pipeline reference for scband-angle-freq-enhance-42107859370790 (READ-ONLY COPY).

The authoritative reference and input builder live on the scoring server;
editing this copy changes nothing except your own understanding.
"""

import math
import jax, jax.numpy as jnp
import numpy as np

IN_CH = 192
C_MID = 16
K_PEAKS = 2
BW = math.radians(15.0)
HFR = 0.3
ALPHA = 1.2
BETA = 0.8
N_BINS = 180


def _grids(H, W):
    cy, cx = H // 2, W // 2
    y, x = jnp.meshgrid(jnp.arange(H), jnp.arange(W), indexing='ij')
    dy = (y - cy).astype(jnp.float32)
    dx = (x - cx).astype(jnp.float32)
    r = jnp.sqrt(dy ** 2 + dx ** 2)
    theta = jnp.arctan2(dy, dx) + math.pi
    r_max = float(min(cy, cx))
    return theta, r, r_max


def _peak_dirs(mag, theta, r, r_max):
    B = mag.shape[0]
    theta_m = theta % math.pi
    high_mask = (r > HFR * r_max).astype(jnp.float32)
    weighted = mag.mean(axis=1) * high_mask
    edges = jnp.linspace(0.0, math.pi, N_BINS + 1)
    bin_idx = jnp.clip(jnp.searchsorted(edges, theta_m.reshape(-1), side='left') - 1, 0, N_BINS - 1)
    wflat = weighted.reshape(B, -1)
    energy = jax.vmap(lambda w: jax.ops.segment_sum(w, bin_idx, num_segments=N_BINS))(wflat)
    ep = jnp.pad(energy, ((0, 0), (1, 1)))
    es = 0.25 * ep[:, :-2] + 0.5 * ep[:, 1:-1] + 0.25 * ep[:, 2:]
    centers = (edges[:-1] + edges[1:]) / 2.0
    peaks = []
    for b in range(B):
        e = es[b]
        mean_e = e.mean()
        left = jnp.roll(e, 1)
        right = jnp.roll(e, -1)
        mask = (e > mean_e) & (e > left) & (e > right)
        count = jnp.sum(mask)
        score = jnp.where(mask, e, -jnp.inf)
        top = jnp.argsort(-score)[:K_PEAKS]
        sel = top[jnp.clip(jnp.arange(K_PEAKS), 0, jnp.maximum(count, 1) - 1)]
        pa = jnp.where(count > 0, centers[sel], centers[jnp.argmax(e)])
        peaks.append(pa)
    return jnp.stack(peaks, axis=0)


def _gain(shape, peak_angles, theta, r, r_max):
    B, C, H, W = shape
    high = r > HFR * r_max
    enh_list = []
    for b in range(B):
        m = jnp.zeros((H, W), dtype=bool)
        for k in range(K_PEAKS):
            p = peak_angles[b, k]
            d = jnp.abs(theta - p)
            d = jnp.minimum(d, math.pi - d)
            m = m | ((d <= BW) & high)
        enh_list.append(m)
    enh = jnp.stack(enh_list, axis=0)[:, None, :, :]
    enh = jnp.broadcast_to(enh, (B, C, H, W))
    gain = jnp.where(enh, ALPHA, 1.0)
    gain = jnp.where(high[None, None, :, :] & (~enh), BETA, gain)
    return gain.astype(jnp.float32)


def setup_inputs(seed: int = 0) -> dict:
    key = jax.random.key(seed)
    k1, k2, k3 = jax.random.split(key, 3)
    x = jax.random.normal(k1, (4, IN_CH, 224, 224), dtype=jnp.float32)
    W_in = jax.random.normal(k2, (C_MID, IN_CH), dtype=jnp.float32) * 0.05
    W_out = jax.random.normal(k3, (IN_CH, C_MID), dtype=jnp.float32) * 0.05
    return {"x": x, "W_in": W_in, "W_out": W_out}


def reference(x, W_in, W_out):
    B, C, H, W = x.shape
    theta, r, r_max = _grids(H, W)
    x_proj = jnp.einsum('bchw,oc->bohw', x, W_in)
    xf = jnp.fft.fft2(x_proj, norm='ortho')
    xs = jnp.fft.fftshift(xf, axes=(-2, -1))
    mag = jnp.abs(xs)
    peaks = _peak_dirs(mag, theta, r, r_max)
    gain = _gain(mag.shape, peaks, theta, r, r_max)
    xe = xs * gain
    xi = jnp.fft.ifftshift(xe, axes=(-2, -1))
    x_enh = jnp.real(jnp.fft.ifft2(xi, norm='ortho'))
    out = jnp.einsum('bchw,oc->bohw', x_enh, W_out)
    return x + out

if __name__ == "__main__":
    import jax
    _d = setup_inputs()
    print(jax.jit(kernel)(*tuple(_d.values())))

</pallas_src>

<mosaic_0001>
module attributes {stable_mosaic.version = 14 : i64} {
  func.func @_proj_in_kernel(%arg0: i32, %arg1: i32, %arg2: memref<1x192x6272xf32, #tpu.memory_space<vmem>>, %arg3: memref<16x192xf32, #tpu.memory_space<vmem>>, %arg4: memref<1x16x6272xf32, #tpu.memory_space<vmem>>) attributes {dimension_semantics = [#tpu.dimension_semantics<arbitrary>, #tpu.dimension_semantics<arbitrary>], iteration_bounds = array<i64: 4, 8>, scalar_prefetch = 0 : i64, scratch_operands = 0 : i64, tpu.core_type = #tpu.core_type<tc>, window_params = [{transform_indices = @transform_0, window_bounds = array<i64: 1, 192, 6272>}, {pipeline_mode = #tpu.pipeline_mode<synchronous>, transform_indices = @transform_1, window_bounds = array<i64: 16, 192>}, {transform_indices = @transform_2, window_bounds = array<i64: 1, 16, 6272>}]} {
    %get3A = arith.constant 0 : index
    %get3A_0 = arith.constant 0 : index
    %get3A_1 = vector.load %arg3[%get3A, %get3A_0] : memref<16x192xf32, #tpu.memory_space<vmem>>, vector<16x192xf32>
    %get3A_2 = arith.constant 0 : index
    %get3A_3 = arith.constant 0 : index
    %get3A_4 = arith.constant 0 : index
    %get3A_5 = vector.load %arg2[%get3A_2, %get3A_3, %get3A_4] : memref<1x192x6272xf32, #tpu.memory_space<vmem>>, vector<1x192x6272xf32>
    %get3A_6 = vector.shape_cast %get3A_5 : vector<1x192x6272xf32> to vector<192x6272xf32>
    %dot_general3A = arith.constant dense<0.000000e+00> : vector<16x6272xf32>
    %dot_general3A_7 = tpu.matmul %get3A_1, %get3A_6, %dot_general3A {dimension_numbers = #tpu.dot_dimension_numbers<[1], [0], [0], [1], [0, 0, 1, 1], [], []>, precision = #tpu.contract_precision<fp32>, transpose_lhs_hint = false} : vector<16x192xf32>, vector<192x6272xf32>, vector<16x6272xf32> -> vector<16x6272xf32>
    %swap3A = arith.constant 0 : index
    %swap3A_8 = arith.constant 0 : index
    %swap3A_9 = arith.constant 0 : index
    %swap3A_10 = vector.load %arg4[%swap3A, %swap3A_8, %swap3A_9] : memref<1x16x6272xf32, #tpu.memory_space<vmem>>, vector<1x16x6272xf32>
    %swap3A_11 = vector.shape_cast %swap3A_10 : vector<1x16x6272xf32> to vector<16x6272xf32>
    %swap3A_12 = vector.shape_cast %dot_general3A_7 : vector<16x6272xf32> to vector<1x16x6272xf32>
    tpu.vector_store %arg4[%swap3A, %swap3A_8, %swap3A_9], %swap3A_12 {strides = array<i32>} : memref<1x16x6272xf32, #tpu.memory_space<vmem>>, vector<1x16x6272xf32>,
    return
  }
  func.func @transform_0(%arg0: i32, %arg1: i32) -> (i32, i32, i32) {
    %c0_i32 = arith.constant 0 : i32
    %c0_i32_0 = arith.constant 0 : i32
    return %arg0, %c0_i32, %arg1 : i32, i32, i32
  }
  func.func @transform_1(%arg0: i32, %arg1: i32) -> (i32, i32) {
    %c0_i32 = arith.constant 0 : i32
    %c0_i32_0 = arith.constant 0 : i32
    %c0_i32_1 = arith.constant 0 : i32
    return %c0_i32, %c0_i32_0 : i32, i32
  }
  func.func @transform_2(%arg0: i32, %arg1: i32) -> (i32, i32, i32) {
    %c0_i32 = arith.constant 0 : i32
    %c0_i32_0 = arith.constant 0 : i32
    return %arg0, %c0_i32, %arg1 : i32, i32, i32
  }
}

module attributes {stable_mosaic.version = 14 : i64} {
  func.func @_fft_kernel(%arg0: i32, %arg1: i32, %arg2: memref<1x1x224x224xf32, #tpu.memory_space<vmem>>, %arg3: memref<224x224xf32, #tpu.memory_space<vmem>>, %arg4: memref<224x224xf32, #tpu.memory_space<vmem>>, %arg5: memref<224x224xf32, #tpu.memory_space<vmem>>, %arg6: memref<224x224xf32, #tpu.memory_space<vmem>>, %arg7: memref<1x1x224x224xf32, #tpu.memory_space<vmem>>, %arg8: memref<1x1x224x224xf32, #tpu.memory_space<vmem>>, %arg9: memref<1x224x224xf32, #tpu.memory_space<vmem>>) attributes {dimension_semantics = [#tpu.dimension_semantics<arbitrary>, #tpu.dimension_semantics<arbitrary>], iteration_bounds = array<i64: 4, 16>, scalar_prefetch = 0 : i64, scratch_operands = 0 : i64, tpu.core_type = #tpu.core_type<tc>, window_params = [{transform_indices = @transform_0, window_bounds = array<i64: 1, 1, 224, 224>}, {pipeline_mode = #tpu.pipeline_mode<synchronous>, transform_indices = @transform_1, window_bounds = array<i64: 224, 224>}, {pipeline_mode = #tpu.pipeline_mode<synchronous>, transform_indices = @transform_2, window_bounds = array<i64: 224, 224>}, {pipeline_mode = #tpu.pipeline_mode<synchronous>, transform_indices = @transform_3, window_bounds = array<i64: 224, 224>}, {pipeline_mode = #tpu.pipeline_mode<synchronous>, transform_indices = @transform_4, window_bounds = array<i64: 224, 224>}, {transform_indices = @transform_5, window_bounds = array<i64: 1, 1, 224, 224>}, {transform_indices = @transform_6, window_bounds = array<i64: 1, 1, 224, 224>}, {transform_indices = @transform_7, window_bounds = array<i64: 1, 224, 224>}]} {
    %get3A = arith.constant 0 : index
    %get3A_0 = arith.constant 0 : index
    %get3A_1 = arith.constant 0 : index
    %get3A_2 = arith.constant 0 : index
    %get3A_3 = vector.load %arg2[%get3A, %get3A_0, %get3A_1, %get3A_2] : memref<1x1x224x224xf32, #tpu.memory_space<vmem>>, vector<1x1x224x224xf32>
    %get3A_4 = vector.shape_cast %get3A_3 : vector<1x1x224x224xf32> to vector<224x224xf32>
    %get3A_5 = arith.constant 0 : index
    %get3A_6 = arith.constant 0 : index
    %get3A_7 = vector.load %arg3[%get3A_5, %get3A_6] : memref<224x224xf32, #tpu.memory_space<vmem>>, vector<224x224xf32>
    %get3A_8 = arith.constant 0 : index
    %get3A_9 = arith.constant 0 : index
    %get3A_10 = vector.load %arg4[%get3A_8, %get3A_9] : memref<224x224xf32, #tpu.memory_space<vmem>>, vector<224x224xf32>
    %dot_general3A = arith.constant dense<0.000000e+00> : vector<224x224xf32>
    %dot_general3A_11 = tpu.matmul %get3A_7, %get3A_4, %dot_general3A {dimension_numbers = #tpu.dot_dimension_numbers<[1], [0], [0], [1], [0, 0, 1, 1], [], []>, precision = #tpu.contract_precision<fp32>, transpose_lhs_hint = false} : vector<224x224xf32>, vector<224x224xf32>, vector<224x224xf32> -> vector<224x224xf32>
    %dot_general3A_12 = arith.constant dense<0.000000e+00> : vector<224x224xf32>
    %dot_general3A_13 = tpu.matmul %get3A_10, %get3A_4, %dot_general3A_12 {dimension_numbers = #tpu.dot_dimension_numbers<[1], [0], [0], [1], [0, 0, 1, 1], [], []>, precision = #tpu.contract_precision<fp32>, transpose_lhs_hint = false} : vector<224x224xf32>, vector<224x224xf32>, vector<224x224xf32> -> vector<224x224xf32>
    %get3A_14 = arith.constant 0 : index
    %get3A_15 = arith.constant 0 : index
    %get3A_16 = vector.load %arg5[%get3A_14, %get3A_15] : memref<224x224xf32, #tpu.memory_space<vmem>>, vector<224x224xf32>
    %get3A_17 = arith.constant 0 : index
    %get3A_18 = arith.constant 0 : index
    %get3A_19 = vector.load %arg6[%get3A_17, %get3A_18] : memref<224x224xf32, #tpu.memory_space<vmem>>, vector<224x224xf32>
    %dot_general3A_20 = arith.constant dense<0.000000e+00> : vector<224x224xf32>
    %dot_general3A_21 = tpu.matmul %dot_general3A_11, %get3A_16, %dot_general3A_20 {dimension_numbers = #tpu.dot_dimension_numbers<[1], [0], [0], [1], [0, 0, 1, 1], [], []>, precision = #tpu.contract_precision<fp32>, transpose_lhs_hint = false} : vector<224x224xf32>, vector<224x224xf32>, vector<224x224xf32> -> vector<224x224xf32>
    %dot_general3A_22 = arith.constant dense<0.000000e+00> : vector<224x224xf32>
    %dot_general3A_23 = tpu.matmul %dot_general3A_13, %get3A_19, %dot_general3A_22 {dimension_numbers = #tpu.dot_dimension_numbers<[1], [0], [0], [1], [0, 0, 1, 1], [], []>, precision = #tpu.contract_precision<fp32>, transpose_lhs_hint = false} : vector<224x224xf32>, vector<224x224xf32>, vector<224x224xf32> -> vector<224x224xf32>
    %sub3A = arith.subf %dot_general3A_21, %dot_general3A_23 : vector<224x224xf32>
    %dot_general3A_24 = arith.constant dense<0.000000e+00> : vector<224x224xf32>
    %dot_general3A_25 = tpu.matmul %dot_general3A_11, %get3A_19, %dot_general3A_24 {dimension_numbers = #tpu.dot_dimension_numbers<[1], [0], [0], [1], [0, 0, 1, 1], [], []>, precision = #tpu.contract_precision<fp32>, transpose_lhs_hint = false} : vector<224x224xf32>, vector<224x224xf32>, vector<224x224xf32> -> vector<224x224xf32>
    %dot_general3A_26 = arith.constant dense<0.000000e+00> : vector<224x224xf32>
    %dot_general3A_27 = tpu.matmul %dot_general3A_13, %get3A_16, %dot_general3A_26 {dimension_numbers = #tpu.dot_dimension_numbers<[1], [0], [0], [1], [0, 0, 1, 1], [], []>, precision = #tpu.contract_precision<fp32>, transpose_lhs_hint = false} : vector<224x224xf32>, vector<224x224xf32>, vector<224x224xf32> -> vector<224x224xf32>
    %add3A = arith.addf %dot_general3A_25, %dot_general3A_27 : vector<224x224xf32>
    %swap3A = arith.constant 0 : index
    %swap3A_28 = arith.constant 0 : index
    %swap3A_29 = arith.constant 0 : index
    %swap3A_30 = arith.constant 0 : index
    %swap3A_31 = vector.load %arg7[%swap3A, %swap3A_28, %swap3A_29, %swap3A_30] : memref<1x1x224x224xf32, #tpu.memory_space<vmem>>, vector<1x1x224x224xf32>
    %swap3A_32 = vector.shape_cast %swap3A_31 : vector<1x1x224x224xf32> to vector<224x224xf32>
    %swap3A_33 = vector.shape_cast %sub3A : vector<224x224xf32> to vector<1x1x224x224xf32>
    tpu.vector_store %arg7[%swap3A, %swap3A_28, %swap3A_29, %swap3A_30], %swap3A_33 {strides = array<i32>} : memref<1x1x224x224xf32, #tpu.memory_space<vmem>>, vector<1x1x224x224xf32>,
    %swap3A_34 = arith.constant 0 : index
    %swap3A_35 = arith.constant 0 : index
    %swap3A_36 = arith.constant 0 : index
    %swap3A_37 = arith.constant 0 : index
    %swap3A_38 = vector.load %arg8[%swap3A_34, %swap3A_35, %swap3A_36, %swap3A_37] : memref<1x1x224x224xf32, #tpu.memory_space<vmem>>, vector<1x1x224x224xf32>
    %swap3A_39 = vector.shape_cast %swap3A_38 : vector<1x1x224x224xf32> to vector<224x224xf32>
    %swap3A_40 = vector.shape_cast %add3A : vector<224x224xf32> to vector<1x1x224x224xf32>
    tpu.vector_store %arg8[%swap3A_34, %swap3A_35, %swap3A_36, %swap3A_37], %swap3A_40 {strides = array<i32>} : memref<1x1x224x224xf32, #tpu.memory_space<vmem>>, vector<1x1x224x224xf32>,
    %mul3A = arith.mulf %sub3A, %sub3A : vector<224x224xf32>
    %mul3A_41 = arith.mulf %add3A, %add3A : vector<224x224xf32>
    %add3A_42 = arith.addf %mul3A, %mul3A_41 : vector<224x224xf32>
    %sqrt3A = math.sqrt %add3A_42 : vector<224x224xf32>
    %eq3A = arith.constant 0 : i32
    %eq3A_43 = arith.cmpi eq, %arg1, %eq3A : i32
    %convert_element_type3A = arith.extui %eq3A_43 : i1 to i32
    %cond3A = arith.constant 0 : i32
    %cond3A_44 = arith.cmpi ne, %convert_element_type3A, %cond3A : i32
    scf.if %cond3A_44 {
      %swap3A_49 = arith.constant 0 : index
      %swap3A_50 = arith.constant 0 : index
      %swap3A_51 = arith.constant 0 : index
      %swap3A_52 = vector.load %arg9[%swap3A_49, %swap3A_50, %swap3A_51] : memref<1x224x224xf32, #tpu.memory_space<vmem>>, vector<1x224x224xf32>
      %swap3A_53 = vector.shape_cast %swap3A_52 : vector<1x224x224xf32> to vector<224x224xf32>
      %swap3A_54 = vector.shape_cast %sqrt3A : vector<224x224xf32> to vector<1x224x224xf32>
      tpu.vector_store %arg9[%swap3A_49, %swap3A_50, %swap3A_51], %swap3A_54 {strides = array<i32>} : memref<1x224x224xf32, #tpu.memory_space<vmem>>, vector<1x224x224xf32>,
    } else {
    }
    %ne3A = arith.constant 0 : i32
    %ne3A_45 = arith.cmpi ne, %arg1, %ne3A : i32
    %convert_element_type3A_46 = arith.extui %ne3A_45 : i1 to i32
    %cond3A_47 = arith.constant 0 : i32
    %cond3A_48 = arith.cmpi ne, %convert_element_type3A_46, %cond3A_47 : i32
    scf.if %cond3A_48 {
      %get3A_49 = arith.constant 0 : index
      %get3A_50 = arith.constant 0 : index
      %get3A_51 = arith.constant 0 : index
      %get3A_52 = vector.load %arg9[%get3A_49, %get3A_50, %get3A_51] : memref<1x224x224xf32, #tpu.memory_space<vmem>>, vector<1x224x224xf32>
      %get3A_53 = vector.shape_cast %get3A_52 : vector<1x224x224xf32> to vector<224x224xf32>
      %add3A_54 = arith.addf %get3A_53, %sqrt3A : vector<224x224xf32>
      %swap3A_55 = arith.constant 0 : index
      %swap3A_56 = arith.constant 0 : index
      %swap3A_57 = arith.constant 0 : index
      %swap3A_58 = vector.load %arg9[%swap3A_55, %swap3A_56, %swap3A_57] : memref<1x224x224xf32, #tpu.memory_space<vmem>>, vector<1x224x224xf32>
      %swap3A_59 = vector.shape_cast %swap3A_58 : vector<1x224x224xf32> to vector<224x224xf32>
      %swap3A_60 = vector.shape_cast %add3A_54 : vector<224x224xf32> to vector<1x224x224xf32>
      tpu.vector_store %arg9[%swap3A_55, %swap3A_56, %swap3A_57], %swap3A_60 {strides = array<i32>} : memref<1x224x224xf32, #tpu.memory_space<vmem>>, vector<1x224x224xf32>,
    } else {
    }
    return
  }
  func.func @transform_0(%arg0: i32, %arg1: i32) -> (i32, i32, i32, i32) {
    %c0_i32 = arith.constant 0 : i32
    %c0_i32_0 = arith.constant 0 : i32
    %c0_i32_1 = arith.constant 0 : i32
    return %arg0, %arg1, %c0_i32, %c0_i32_0 : i32, i32, i32, i32
  }
  func.func @transform_1(%arg0: i32, %arg1: i32) -> (i32, i32) {
    %c0_i32 = arith.constant 0 : i32
    %c0_i32_0 = arith.constant 0 : i32
    %c0_i32_1 = arith.constant 0 : i32
    return %c0_i32, %c0_i32_0 : i32, i32
  }
  func.func @transform_2(%arg0: i32, %arg1: i32) -> (i32, i32) {
    %c0_i32 = arith.constant 0 : i32
    %c0_i32_0 = arith.constant 0 : i32
    %c0_i32_1 = arith.constant 0 : i32
    return %c0_i32, %c0_i32_0 : i32, i32
  }
  func.func @transform_3(%arg0: i32, %arg1: i32) -> (i32, i32) {
    %c0_i32 = arith.constant 0 : i32
    %c0_i32_0 = arith.constant 0 : i32
    %c0_i32_1 = arith.constant 0 : i32
    return %c0_i32, %c0_i32_0 : i32, i32
  }
  func.func @transform_4(%arg0: i32, %arg1: i32) -> (i32, i32) {
    %c0_i32 = arith.constant 0 : i32
    %c0_i32_0 = arith.constant 0 : i32
    %c0_i32_1 = arith.constant 0 : i32
    return %c0_i32, %c0_i32_0 : i32, i32
  }
  func.func @transform_5(%arg0: i32, %arg1: i32) -> (i32, i32, i32, i32) {
    %c0_i32 = arith.constant 0 : i32
    %c0_i32_0 = arith.constant 0 : i32
    %c0_i32_1 = arith.constant 0 : i32
    return %arg0, %arg1, %c0_i32, %c0_i32_0 : i32, i32, i32, i32
  }
  func.func @transform_6(%arg0: i32, %arg1: i32) -> (i32, i32, i32, i32) {
    %c0_i32 = arith.constant 0 : i32
    %c0_i32_0 = arith.constant 0 : i32
    %c0_i32_1 = arith.constant 0 : i32
    return %arg0, %arg1, %c0_i32, %c0_i32_0 : i32, i32, i32, i32
  }
  func.func @transform_7(%arg0: i32, %arg1: i32) -> (i32, i32, i32) {
    %c0_i32 = arith.constant 0 : i32
    %c0_i32_0 = arith.constant 0 : i32
    %c0_i32_1 = arith.constant 0 : i32
    return %arg0, %c0_i32, %c0_i32_0 : i32, i32, i32
  }
}

module attributes {stable_mosaic.version = 14 : i64} {
  func.func @_hist_kernel(%arg0: i32, %arg1: memref<4x6272xf32, #tpu.memory_space<vmem>>, %arg2: memref<6272x180xf32, #tpu.memory_space<vmem>>, %arg3: memref<4x180xf32, #tpu.memory_space<vmem>>) attributes {dimension_semantics = [#tpu.dimension_semantics<arbitrary>], iteration_bounds = array<i64: 8>, scalar_prefetch = 0 : i64, scratch_operands = 0 : i64, tpu.core_type = #tpu.core_type<tc>, window_params = [{transform_indices = @transform_0, window_bounds = array<i64: 4, 6272>}, {transform_indices = @transform_1, window_bounds = array<i64: 6272, 180>}, {pipeline_mode = #tpu.pipeline_mode<synchronous>, transform_indices = @transform_2, window_bounds = array<i64: 4, 180>}]} {
    %eq3A = arith.constant 0 : i32
    %eq3A_0 = arith.cmpi eq, %arg0, %eq3A : i32
    %convert_element_type3A = arith.extui %eq3A_0 : i1 to i32
    %cond3A = arith.constant 0 : i32
    %cond3A_1 = arith.cmpi ne, %convert_element_type3A, %cond3A : i32
    scf.if %cond3A_1 {
      %broadcast_in_dim3A = arith.constant 0.000000e+00 : f32
      %broadcast_in_dim3A_13 = vector.broadcast %broadcast_in_dim3A : f32 to vector<4x180xf32>
      %swap3A_14 = arith.constant 0 : index
      %swap3A_15 = arith.constant 0 : index
      %swap3A_16 = vector.load %arg3[%swap3A_14, %swap3A_15] : memref<4x180xf32, #tpu.memory_space<vmem>>, vector<4x180xf32>
      tpu.vector_store %arg3[%swap3A_14, %swap3A_15], %broadcast_in_dim3A_13 {strides = array<i32>} : memref<4x180xf32, #tpu.memory_space<vmem>>, vector<4x180xf32>,
    } else {
    }
    %get3A = arith.constant 0 : index
    %get3A_2 = arith.constant 0 : index
    %get3A_3 = vector.load %arg3[%get3A, %get3A_2] : memref<4x180xf32, #tpu.memory_space<vmem>>, vector<4x180xf32>
    %get3A_4 = arith.constant 0 : index
    %get3A_5 = arith.constant 0 : index
    %get3A_6 = vector.load %arg1[%get3A_4, %get3A_5] : memref<4x6272xf32, #tpu.memory_space<vmem>>, vector<4x6272xf32>
    %get3A_7 = arith.constant 0 : index
    %get3A_8 = arith.constant 0 : index
    %get3A_9 = vector.load %arg2[%get3A_7, %get3A_8] : memref<6272x180xf32, #tpu.memory_space<vmem>>, vector<6272x180xf32>
    %dot_general3A = arith.constant dense<0.000000e+00> : vector<4x180xf32>
    %dot_general3A_10 = tpu.matmul %get3A_6, %get3A_9, %dot_general3A {dimension_numbers = #tpu.dot_dimension_numbers<[1], [0], [0], [1], [0, 0, 1, 1], [], []>, precision = #tpu.contract_precision<fp32>, transpose_lhs_hint = false} : vector<4x6272xf32>, vector<6272x180xf32>, vector<4x180xf32> -> vector<4x180xf32>
    %add3A = arith.addf %get3A_3, %dot_general3A_10 : vector<4x180xf32>
    %swap3A = arith.constant 0 : index
    %swap3A_11 = arith.constant 0 : index
    %swap3A_12 = vector.load %arg3[%swap3A, %swap3A_11] : memref<4x180xf32, #tpu.memory_space<vmem>>, vector<4x180xf32>
    tpu.vector_store %arg3[%swap3A, %swap3A_11], %add3A {strides = array<i32>} : memref<4x180xf32, #tpu.memory_space<vmem>>, vector<4x180xf32>,
    return
  }
  func.func @transform_0(%arg0: i32) -> (i32, i32) {
    %c0_i32 = arith.constant 0 : i32
    %c0_i32_0 = arith.constant 0 : i32
    return %c0_i32, %arg0 : i32, i32
  }
  func.func @transform_1(%arg0: i32) -> (i32, i32) {
    %c0_i32 = arith.constant 0 : i32
    %c0_i32_0 = arith.constant 0 : i32
    return %arg0, %c0_i32 : i32, i32
  }
  func.func @transform_2(%arg0: i32) -> (i32, i32) {
    %c0_i32 = arith.constant 0 : i32
    %c0_i32_0 = arith.constant 0 : i32
    %c0_i32_1 = arith.constant 0 : i32
    return %c0_i32, %c0_i32_0 : i32, i32
  }
}

module attributes {stable_mosaic.version = 14 : i64} {
  func.func @_peaks_kernel(%arg0: memref<4x180xf32, #tpu.memory_space<vmem>>, %arg1: memref<1x180xf32, #tpu.memory_space<vmem>>, %arg2: memref<4x2xf32, #tpu.memory_space<vmem>>) attributes {dimension_semantics = [], scalar_prefetch = 0 : i64, scratch_operands = 0 : i64, tpu.core_type = #tpu.core_type<tc>} {
    %get3A = arith.constant 0 : index
    %get3A_0 = arith.constant 0 : index
    %get3A_1 = vector.load %arg0[%get3A, %get3A_0] : memref<4x180xf32, #tpu.memory_space<vmem>>, vector<4x180xf32>
    %broadcast_in_dim3A = arith.constant 0.000000e+00 : f32
    %broadcast_in_dim3A_2 = vector.broadcast %broadcast_in_dim3A : f32 to vector<4x1xf32>
    %slice3A = vector.extract_strided_slice %get3A_1 {offsets = [0, 0], sizes = [4, 179], strides = [1, 1]} : vector<4x180xf32> to vector<4x179xf32>
    %concatenate3A = tpu.concatenate %broadcast_in_dim3A_2, %slice3A in 1 : vector<4x1xf32>, vector<4x179xf32> -> vector<4x180xf32>
    %slice3A_3 = vector.extract_strided_slice %get3A_1 {offsets = [0, 1], sizes = [4, 179], strides = [1, 1]} : vector<4x180xf32> to vector<4x179xf32>
    %concatenate3A_4 = tpu.concatenate %slice3A_3, %broadcast_in_dim3A_2 in 1 : vector<4x179xf32>, vector<4x1xf32> -> vector<4x180xf32>
    %mul3A = arith.constant 2.500000e-01 : f32
    %mul3A_5 = vector.broadcast %mul3A : f32 to vector<4x180xf32>
    %mul3A_6 = arith.mulf %mul3A_5, %concatenate3A : vector<4x180xf32>
    %mul3A_7 = arith.constant 5.000000e-01 : f32
    %mul3A_8 = vector.broadcast %mul3A_7 : f32 to vector<4x180xf32>
    %mul3A_9 = arith.mulf %mul3A_8, %get3A_1 : vector<4x180xf32>
    %add3A = arith.addf %mul3A_6, %mul3A_9 : vector<4x180xf32>
    %mul3A_10 = arith.constant 2.500000e-01 : f32
    %mul3A_11 = vector.broadcast %mul3A_10 : f32 to vector<4x180xf32>
    %mul3A_12 = arith.mulf %mul3A_11, %concatenate3A_4 : vector<4x180xf32>
    %add3A_13 = arith.addf %add3A, %mul3A_12 : vector<4x180xf32>
    %slice3A_14 = vector.extract_strided_slice %add3A_13 {offsets = [0, 179], sizes = [4, 1], strides = [1, 1]} : vector<4x180xf32> to vector<4x1xf32>
    %slice3A_15 = vector.extract_strided_slice %add3A_13 {offsets = [0, 0], sizes = [4, 179], strides = [1, 1]} : vector<4x180xf32> to vector<4x179xf32>
    %concatenate3A_16 = tpu.concatenate %slice3A_14, %slice3A_15 in 1 : vector<4x1xf32>, vector<4x179xf32> -> vector<4x180xf32>
    %slice3A_17 = vector.extract_strided_slice %add3A_13 {offsets = [0, 1], sizes = [4, 179], strides = [1, 1]} : vector<4x180xf32> to vector<4x179xf32>
    %slice3A_18 = vector.extract_strided_slice %add3A_13 {offsets = [0, 0], sizes = [4, 1], strides = [1, 1]} : vector<4x180xf32> to vector<4x1xf32>
    %concatenate3A_19 = tpu.concatenate %slice3A_17, %slice3A_18 in 1 : vector<4x179xf32>, vector<4x1xf32> -> vector<4x180xf32>
    %reduce_sum3A = arith.constant dense<0.000000e+00> : vector<4xf32>
    %reduce_sum3A_20 = vector.multi_reduction <add>, %add3A_13, %reduce_sum3A [1] : vector<4x180xf32> to vector<4xf32>
    %broadcast_in_dim3A_21 = vector.shape_cast %reduce_sum3A_20 : vector<4xf32> to vector<4x1xf32>
    %div3A = arith.constant 1.800000e+02 : f32
    %div3A_22 = vector.broadcast %div3A : f32 to vector<4x1xf32>
    %div3A_23 = arith.divf %broadcast_in_dim3A_21, %div3A_22 : vector<4x1xf32>
    %gt3A = vector.broadcast %div3A_23 : vector<4x1xf32> to vector<4x180xf32>
    %gt3A_24 = arith.cmpf ogt, %add3A_13, %gt3A : vector<4x180xf32>
    %gt3A_25 = arith.cmpf ogt, %add3A_13, %concatenate3A_16 : vector<4x180xf32>
    %and3A = arith.andi %gt3A_24, %gt3A_25 : vector<4x180xi1>
    %gt3A_26 = arith.cmpf ogt, %add3A_13, %concatenate3A_19 : vector<4x180xf32>
    %and3A_27 = arith.andi %and3A, %gt3A_26 : vector<4x180xi1>
    %jit3A = arith.constant 0xFF800000 : f32
    %broadcast_in_dim3A_28 = vector.broadcast %jit3A : f32 to vector<4x180xf32>
    %select_n3A = arith.select %and3A_27, %add3A_13, %broadcast_in_dim3A_28 : vector<4x180xi1>, vector<4x180xf32>
    %reduce_max3A = arith.constant dense<0xFF800000> : vector<4xf32>
    %reduce_max3A_29 = vector.multi_reduction <maximumf>, %select_n3A, %reduce_max3A [1] : vector<4x180xf32> to vector<4xf32>
    %broadcast_in_dim3A_30 = vector.shape_cast %reduce_max3A_29 : vector<4xf32> to vector<4x1xf32>
    %iota3A = tpu.iota {dimensions = array<i32: 1>} : vector<4x180xi32>
    %eq3A = vector.broadcast %broadcast_in_dim3A_30 : vector<4x1xf32> to vector<4x180xf32>
    %eq3A_31 = arith.cmpf oeq, %select_n3A, %eq3A : vector<4x180xf32>
    %jit3A_32 = arith.constant 1073741824 : i32
    %broadcast_in_dim3A_33 = vector.broadcast %jit3A_32 : i32 to vector<4x180xi32>
    %select_n3A_34 = arith.select %eq3A_31, %iota3A, %broadcast_in_dim3A_33 : vector<4x180xi1>, vector<4x180xi32>
    %reduce_min3A = arith.constant dense<2147483647> : vector<4xi32>
    %reduce_min3A_35 = vector.multi_reduction <minsi>, %select_n3A_34, %reduce_min3A [1] : vector<4x180xi32> to vector<4xi32>
    %broadcast_in_dim3A_36 = vector.shape_cast %reduce_min3A_35 : vector<4xi32> to vector<4x1xi32>
    %iota3A_37 = tpu.iota {dimensions = array<i32: 1>} : vector<4x180xi32>
    %eq3A_38 = vector.broadcast %broadcast_in_dim3A_36 : vector<4x1xi32> to vector<4x180xi32>
    %eq3A_39 = arith.cmpi eq, %iota3A_37, %eq3A_38 : vector<4x180xi32>
    %jit3A_40 = arith.constant 0xFF800000 : f32
    %broadcast_in_dim3A_41 = vector.broadcast %jit3A_40 : f32 to vector<4x180xf32>
    %select_n3A_42 = arith.select %eq3A_39, %broadcast_in_dim3A_41, %select_n3A : vector<4x180xi1>, vector<4x180xf32>
    %reduce_max3A_43 = arith.constant dense<0xFF800000> : vector<4xf32>
    %reduce_max3A_44 = vector.multi_reduction <maximumf>, %select_n3A_42, %reduce_max3A_43 [1] : vector<4x180xf32> to vector<4xf32>
    %broadcast_in_dim3A_45 = vector.shape_cast %reduce_max3A_44 : vector<4xf32> to vector<4x1xf32>
    %iota3A_46 = tpu.iota {dimensions = array<i32: 1>} : vector<4x180xi32>
    %eq3A_47 = vector.broadcast %broadcast_in_dim3A_45 : vector<4x1xf32> to vector<4x180xf32>
    %eq3A_48 = arith.cmpf oeq, %select_n3A_42, %eq3A_47 : vector<4x180xf32>
    %jit3A_49 = arith.constant 1073741824 : i32
    %broadcast_in_dim3A_50 = vector.broadcast %jit3A_49 : i32 to vector<4x180xi32>
    %select_n3A_51 = arith.select %eq3A_48, %iota3A_46, %broadcast_in_dim3A_50 : vector<4x180xi1>, vector<4x180xi32>
    %reduce_min3A_52 = arith.constant dense<2147483647> : vector<4xi32>
    %reduce_min3A_53 = vector.multi_reduction <minsi>, %select_n3A_51, %reduce_min3A_52 [1] : vector<4x180xi32> to vector<4xi32>
    %broadcast_in_dim3A_54 = vector.shape_cast %reduce_min3A_53 : vector<4xi32> to vector<4x1xi32>
    %convert_element_type3A = arith.extui %and3A_27 : vector<4x180xi1> to vector<4x180xi32>
    %reduce_sum3A_55 = arith.constant dense<0> : vector<4xi32>
    %reduce_sum3A_56 = vector.multi_reduction <add>, %convert_element_type3A, %reduce_sum3A_55 [1] : vector<4x180xi32> to vector<4xi32>
    %broadcast_in_dim3A_57 = vector.shape_cast %reduce_sum3A_56 : vector<4xi32> to vector<4x1xi32>
    %reduce_max3A_58 = arith.constant dense<0xFF800000> : vector<4xf32>
    %reduce_max3A_59 = vector.multi_reduction <maximumf>, %add3A_13, %reduce_max3A_58 [1] : vector<4x180xf32> to vector<4xf32>
    %broadcast_in_dim3A_60 = vector.shape_cast %reduce_max3A_59 : vector<4xf32> to vector<4x1xf32>
    %iota3A_61 = tpu.iota {dimensions = array<i32: 1>} : vector<4x180xi32>
    %eq3A_62 = vector.broadcast %broadcast_in_dim3A_60 : vector<4x1xf32> to vector<4x180xf32>
    %eq3A_63 = arith.cmpf oeq, %add3A_13, %eq3A_62 : vector<4x180xf32>
    %jit3A_64 = arith.constant 1073741824 : i32
    %broadcast_in_dim3A_65 = vector.broadcast %jit3A_64 : i32 to vector<4x180xi32>
    %select_n3A_66 = arith.select %eq3A_63, %iota3A_61, %broadcast_in_dim3A_65 : vector<4x180xi1>, vector<4x180xi32>
    %reduce_min3A_67 = arith.constant dense<2147483647> : vector<4xi32>
    %reduce_min3A_68 = vector.multi_reduction <minsi>, %select_n3A_66, %reduce_min3A_67 [1] : vector<4x180xi32> to vector<4xi32>
    %broadcast_in_dim3A_69 = vector.shape_cast %reduce_min3A_68 : vector<4xi32> to vector<4x1xi32>
    %get3A_70 = arith.constant 0 : index
    %get3A_71 = arith.constant 0 : index
    %get3A_72 = vector.load %arg1[%get3A_70, %get3A_71] : memref<1x180xf32, #tpu.memory_space<vmem>>, vector<1x180xf32>
    %broadcast_in_dim3A_73 = vector.shape_cast %get3A_72 : vector<1x180xf32> to vector<1x180xf32>
    %broadcast_in_dim3A_74 = vector.broadcast %broadcast_in_dim3A_73 : vector<1x180xf32> to vector<4x180xf32>
    %iota3A_75 = tpu.iota {dimensions = array<i32: 1>} : vector<4x180xi32>
    %eq3A_76 = vector.broadcast %broadcast_in_dim3A_69 : vector<4x1xi32> to vector<4x180xi32>
    %eq3A_77 = arith.cmpi eq, %iota3A_75, %eq3A_76 : vector<4x180xi32>
    %jit3A_78 = arith.constant 0.000000e+00 : f32
    %broadcast_in_dim3A_79 = vector.broadcast %jit3A_78 : f32 to vector<4x180xf32>
    %select_n3A_80 = arith.select %eq3A_77, %broadcast_in_dim3A_74, %broadcast_in_dim3A_79 : vector<4x180xi1>, vector<4x180xf32>
    %reduce_sum3A_81 = arith.constant dense<0.000000e+00> : vector<4xf32>
    %reduce_sum3A_82 = vector.multi_reduction <add>, %select_n3A_80, %reduce_sum3A_81 [1] : vector<4x180xf32> to vector<4xf32>
    %broadcast_in_dim3A_83 = vector.shape_cast %reduce_sum3A_82 : vector<4xf32> to vector<4x1xf32>
    %gt3A_84 = arith.constant 0 : i32
    %gt3A_85 = vector.broadcast %gt3A_84 : i32 to vector<4x1xi32>
    %gt3A_86 = arith.cmpi sgt, %broadcast_in_dim3A_57, %gt3A_85 : vector<4x1xi32>
    %iota3A_87 = tpu.iota {dimensions = array<i32: 1>} : vector<4x180xi32>
    %eq3A_88 = vector.broadcast %broadcast_in_dim3A_36 : vector<4x1xi32> to vector<4x180xi32>
    %eq3A_89 = arith.cmpi eq, %iota3A_87, %eq3A_88 : vector<4x180xi32>
    %jit3A_90 = arith.constant 0.000000e+00 : f32
    %broadcast_in_dim3A_91 = vector.broadcast %jit3A_90 : f32 to vector<4x180xf32>
    %select_n3A_92 = arith.select %eq3A_89, %broadcast_in_dim3A_74, %broadcast_in_dim3A_91 : vector<4x180xi1>, vector<4x180xf32>
    %reduce_sum3A_93 = arith.constant dense<0.000000e+00> : vector<4xf32>
    %reduce_sum3A_94 = vector.multi_reduction <add>, %select_n3A_92, %reduce_sum3A_93 [1] : vector<4x180xf32> to vector<4xf32>
    %broadcast_in_dim3A_95 = vector.shape_cast %reduce_sum3A_94 : vector<4xf32> to vector<4x1xf32>
    %select_n3A_96 = arith.select %gt3A_86, %broadcast_in_dim3A_95, %broadcast_in_dim3A_83 : vector<4x1xi1>, vector<4x1xf32>
    %gt3A_97 = arith.constant 1 : i32
    %gt3A_98 = vector.broadcast %gt3A_97 : i32 to vector<4x1xi32>
    %gt3A_99 = arith.cmpi sgt, %broadcast_in_dim3A_57, %gt3A_98 : vector<4x1xi32>
    %iota3A_100 = tpu.iota {dimensions = array<i32: 1>} : vector<4x180xi32>
    %eq3A_101 = vector.broadcast %broadcast_in_dim3A_54 : vector<4x1xi32> to vector<4x180xi32>
    %eq3A_102 = arith.cmpi eq, %iota3A_100, %eq3A_101 : vector<4x180xi32>
    %jit3A_103 = arith.constant 0.000000e+00 : f32
    %broadcast_in_dim3A_104 = vector.broadcast %jit3A_103 : f32 to vector<4x180xf32>
    %select_n3A_105 = arith.select %eq3A_102, %broadcast_in_dim3A_74, %broadcast_in_dim3A_104 : vector<4x180xi1>, vector<4x180xf32>
    %reduce_sum3A_106 = arith.constant dense<0.000000e+00> : vector<4xf32>
    %reduce_sum3A_107 = vector.multi_reduction <add>, %select_n3A_105, %reduce_sum3A_106 [1] : vector<4x180xf32> to vector<4xf32>
    %broadcast_in_dim3A_108 = vector.shape_cast %reduce_sum3A_107 : vector<4xf32> to vector<4x1xf32>
    %select_n3A_109 = arith.select %gt3A_99, %broadcast_in_dim3A_108, %select_n3A_96 : vector<4x1xi1>, vector<4x1xf32>
    %concatenate3A_110 = tpu.concatenate %select_n3A_96, %select_n3A_109 in 1 : vector<4x1xf32>, vector<4x1xf32> -> vector<4x2xf32>
    %swap3A = arith.constant 0 : index
    %swap3A_111 = arith.constant 0 : index
    %swap3A_112 = vector.load %arg2[%swap3A, %swap3A_111] : memref<4x2xf32, #tpu.memory_space<vmem>>, vector<4x2xf32>
    tpu.vector_store %arg2[%swap3A, %swap3A_111], %concatenate3A_110 {strides = array<i32>} : memref<4x2xf32, #tpu.memory_space<vmem>>, vector<4x2xf32>,
    return
  }
}

module attributes {stable_mosaic.version = 14 : i64} {
  func.func @_ifft_kernel(%arg0: i32, %arg1: i32, %arg2: memref<1x1x224x224xf32, #tpu.memory_space<vmem>>, %arg3: memref<1x1x224x224xf32, #tpu.memory_space<vmem>>, %arg4: memref<4x2xf32, #tpu.memory_space<vmem>>, %arg5: memref<224x224xf32, #tpu.memory_space<vmem>>, %arg6: memref<224x224xf32, #tpu.memory_space<vmem>>, %arg7: memref<224x224xf32, #tpu.memory_space<vmem>>, %arg8: memref<224x224xf32, #tpu.memory_space<vmem>>, %arg9: memref<224x224xf32, #tpu.memory_space<vmem>>, %arg10: memref<224x224xf32, #tpu.memory_space<vmem>>, %arg11: memref<1x1x224x224xf32, #tpu.memory_space<vmem>>) attributes {dimension_semantics = [#tpu.dimension_semantics<arbitrary>, #tpu.dimension_semantics<arbitrary>], iteration_bounds = array<i64: 4, 16>, scalar_prefetch = 0 : i64, scratch_operands = 0 : i64, tpu.core_type = #tpu.core_type<tc>, window_params = [{transform_indices = @transform_0, window_bounds = array<i64: 1, 1, 224, 224>}, {transform_indices = @transform_1, window_bounds = array<i64: 1, 1, 224, 224>}, {pipeline_mode = #tpu.pipeline_mode<synchronous>, transform_indices = @transform_2, window_bounds = array<i64: 4, 2>}, {pipeline_mode = #tpu.pipeline_mode<synchronous>, transform_indices = @transform_3, window_bounds = array<i64: 224, 224>}, {pipeline_mode = #tpu.pipeline_mode<synchronous>, transform_indices = @transform_4, window_bounds = array<i64: 224, 224>}, {pipeline_mode = #tpu.pipeline_mode<synchronous>, transform_indices = @transform_5, window_bounds = array<i64: 224, 224>}, {pipeline_mode = #tpu.pipeline_mode<synchronous>, transform_indices = @transform_6, window_bounds = array<i64: 224, 224>}, {pipeline_mode = #tpu.pipeline_mode<synchronous>, transform_indices = @transform_7, window_bounds = array<i64: 224, 224>}, {pipeline_mode = #tpu.pipeline_mode<synchronous>, transform_indices = @transform_8, window_bounds = array<i64: 224, 224>}, {transform_indices = @transform_9, window_bounds = array<i64: 1, 1, 224, 224>}]} {
    %get3A = arith.constant 0 : index
    %get3A_0 = arith.constant 0 : index
    %get3A_1 = vector.load %arg5[%get3A, %get3A_0] : memref<224x224xf32, #tpu.memory_space<vmem>>, vector<224x224xf32>
    %get3A_2 = arith.constant 0 : index
    %get3A_3 = arith.constant 0 : index
    %get3A_4 = vector.load %arg6[%get3A_2, %get3A_3] : memref<224x224xf32, #tpu.memory_space<vmem>>, vector<224x224xf32>
    %gt3A = arith.constant 5.000000e-01 : f32
    %gt3A_5 = vector.broadcast %gt3A : f32 to vector<224x224xf32>
    %gt3A_6 = arith.cmpf ogt, %get3A_4, %gt3A_5 : vector<224x224xf32>
    %get3A_7 = arith.index_cast %arg0 : i32 to index
    %get3A_8 = arith.constant 0 : index
    %get3A_9 = vector.load %arg4[%get3A_7, %get3A_8] : memref<4x2xf32, #tpu.memory_space<vmem>>, vector<1x1xf32>
    %get3A_10 = vector.extract %get3A_9[0, 0] : f32 from vector<1x1xf32>
    %get3A_11 = arith.index_cast %arg0 : i32 to index
    %get3A_12 = arith.constant 1 : index
    %get3A_13 = vector.load %arg4[%get3A_11, %get3A_12] : memref<4x2xf32, #tpu.memory_space<vmem>>, vector<1x1xf32>
    %get3A_14 = vector.extract %get3A_13[0, 0] : f32 from vector<1x1xf32>
    %sub3A = vector.broadcast %get3A_10 : f32 to vector<224x224xf32>
    %sub3A_15 = arith.subf %get3A_1, %sub3A : vector<224x224xf32>
    %abs3A = math.absf %sub3A_15 : vector<224x224xf32>
    %sub3A_16 = arith.constant 3.14159274 : f32
    %sub3A_17 = vector.broadcast %sub3A_16 : f32 to vector<224x224xf32>
    %sub3A_18 = arith.subf %sub3A_17, %abs3A : vector<224x224xf32>
    %min3A = arith.minimumf %abs3A, %sub3A_18 : vector<224x224xf32>
    %sub3A_19 = vector.broadcast %get3A_14 : f32 to vector<224x224xf32>
    %sub3A_20 = arith.subf %get3A_1, %sub3A_19 : vector<224x224xf32>
    %abs3A_21 = math.absf %sub3A_20 : vector<224x224xf32>
    %sub3A_22 = arith.constant 3.14159274 : f32
    %sub3A_23 = vector.broadcast %sub3A_22 : f32 to vector<224x224xf32>
    %sub3A_24 = arith.subf %sub3A_23, %abs3A_21 : vector<224x224xf32>
    %min3A_25 = arith.minimumf %abs3A_21, %sub3A_24 : vector<224x224xf32>
    %le3A = arith.constant 0.261799395 : f32
    %le3A_26 = vector.broadcast %le3A : f32 to vector<224x224xf32>
    %le3A_27 = arith.cmpf ole, %min3A, %le3A_26 : vector<224x224xf32>
    %le3A_28 = arith.constant 0.261799395 : f32
    %le3A_29 = vector.broadcast %le3A_28 : f32 to vector<224x224xf32>
    %le3A_30 = arith.cmpf ole, %min3A_25, %le3A_29 : vector<224x224xf32>
    %or3A = arith.ori %le3A_27, %le3A_30 : vector<224x224xi1>
    %and3A = arith.andi %or3A, %gt3A_6 : vector<224x224xi1>
    %jit3A = arith.constant 8.000000e-01 : f32
    %jit3A_31 = arith.constant 1.000000e+00 : f32
    %broadcast_in_dim3A = vector.broadcast %jit3A : f32 to vector<224x224xf32>
    %broadcast_in_dim3A_32 = vector.broadcast %jit3A_31 : f32 to vector<224x224xf32>
    %select_n3A = arith.select %gt3A_6, %broadcast_in_dim3A, %broadcast_in_dim3A_32 : vector<224x224xi1>, vector<224x224xf32>
    %jit3A_33 = arith.constant 1.200000e+00 : f32
    %broadcast_in_dim3A_34 = vector.broadcast %jit3A_33 : f32 to vector<224x224xf32>
    %select_n3A_35 = arith.select %and3A, %broadcast_in_dim3A_34, %select_n3A : vector<224x224xi1>, vector<224x224xf32>
    %get3A_36 = arith.constant 0 : index
    %get3A_37 = arith.constant 0 : index
    %get3A_38 = arith.constant 0 : index
    %get3A_39 = arith.constant 0 : index
    %get3A_40 = vector.load %arg2[%get3A_36, %get3A_37, %get3A_38, %get3A_39] : memref<1x1x224x224xf32, #tpu.memory_space<vmem>>, vector<1x1x224x224xf32>
    %get3A_41 = vector.shape_cast %get3A_40 : vector<1x1x224x224xf32> to vector<224x224xf32>
    %mul3A = arith.mulf %get3A_41, %select_n3A_35 : vector<224x224xf32>
    %get3A_42 = arith.constant 0 : index
    %get3A_43 = arith.constant 0 : index
    %get3A_44 = arith.constant 0 : index
    %get3A_45 = arith.constant 0 : index
    %get3A_46 = vector.load %arg3[%get3A_42, %get3A_43, %get3A_44, %get3A_45] : memref<1x1x224x224xf32, #tpu.memory_space<vmem>>, vector<1x1x224x224xf32>
    %get3A_47 = vector.shape_cast %get3A_46 : vector<1x1x224x224xf32> to vector<224x224xf32>
    %mul3A_48 = arith.mulf %get3A_47, %select_n3A_35 : vector<224x224xf32>
    %get3A_49 = arith.constant 0 : index
    %get3A_50 = arith.constant 0 : index
    %get3A_51 = vector.load %arg9[%get3A_49, %get3A_50] : memref<224x224xf32, #tpu.memory_space<vmem>>, vector<224x224xf32>
    %get3A_52 = arith.constant 0 : index
    %get3A_53 = arith.constant 0 : index
    %get3A_54 = vector.load %arg10[%get3A_52, %get3A_53] : memref<224x224xf32, #tpu.memory_space<vmem>>, vector<224x224xf32>
    %dot_general3A = arith.constant dense<0.000000e+00> : vector<224x224xf32>
    %dot_general3A_55 = tpu.matmul %get3A_51, %mul3A, %dot_general3A {dimension_numbers = #tpu.dot_dimension_numbers<[1], [0], [0], [1], [0, 0, 1, 1], [], []>, precision = #tpu.contract_precision<fp32>, transpose_lhs_hint = false} : vector<224x224xf32>, vector<224x224xf32>, vector<224x224xf32> -> vector<224x224xf32>
    %dot_general3A_56 = arith.constant dense<0.000000e+00> : vector<224x224xf32>
    %dot_general3A_57 = tpu.matmul %get3A_54, %mul3A_48, %dot_general3A_56 {dimension_numbers = #tpu.dot_dimension_numbers<[1], [0], [0], [1], [0, 0, 1, 1], [], []>, precision = #tpu.contract_precision<fp32>, transpose_lhs_hint = false} : vector<224x224xf32>, vector<224x224xf32>, vector<224x224xf32> -> vector<224x224xf32>
    %add3A = arith.addf %dot_general3A_55, %dot_general3A_57 : vector<224x224xf32>
    %dot_general3A_58 = arith.constant dense<0.000000e+00> : vector<224x224xf32>
    %dot_general3A_59 = tpu.matmul %get3A_51, %mul3A_48, %dot_general3A_58 {dimension_numbers = #tpu.dot_dimension_numbers<[1], [0], [0], [1], [0, 0, 1, 1], [], []>, precision = #tpu.contract_precision<fp32>, transpose_lhs_hint = false} : vector<224x224xf32>, vector<224x224xf32>, vector<224x224xf32> -> vector<224x224xf32>
    %dot_general3A_60 = arith.constant dense<0.000000e+00> : vector<224x224xf32>
    %dot_general3A_61 = tpu.matmul %get3A_54, %mul3A, %dot_general3A_60 {dimension_numbers = #tpu.dot_dimension_numbers<[1], [0], [0], [1], [0, 0, 1, 1], [], []>, precision = #tpu.contract_precision<fp32>, transpose_lhs_hint = false} : vector<224x224xf32>, vector<224x224xf32>, vector<224x224xf32> -> vector<224x224xf32>
    %sub3A_62 = arith.subf %dot_general3A_59, %dot_general3A_61 : vector<224x224xf32>
    %get3A_63 = arith.constant 0 : index
    %get3A_64 = arith.constant 0 : index
    %get3A_65 = vector.load %arg7[%get3A_63, %get3A_64] : memref<224x224xf32, #tpu.memory_space<vmem>>, vector<224x224xf32>
    %dot_general3A_66 = arith.constant dense<0.000000e+00> : vector<224x224xf32>
    %dot_general3A_67 = tpu.matmul %add3A, %get3A_65, %dot_general3A_66 {dimension_numbers = #tpu.dot_dimension_numbers<[1], [0], [0], [1], [0, 0, 1, 1], [], []>, precision = #tpu.contract_precision<fp32>, transpose_lhs_hint = false} : vector<224x224xf32>, vector<224x224xf32>, vector<224x224xf32> -> vector<224x224xf32>
    %get3A_68 = arith.constant 0 : index
    %get3A_69 = arith.constant 0 : index
    %get3A_70 = vector.load %arg8[%get3A_68, %get3A_69] : memref<224x224xf32, #tpu.memory_space<vmem>>, vector<224x224xf32>
    %dot_general3A_71 = arith.constant dense<0.000000e+00> : vector<224x224xf32>
    %dot_general3A_72 = tpu.matmul %sub3A_62, %get3A_70, %dot_general3A_71 {dimension_numbers = #tpu.dot_dimension_numbers<[1], [0], [0], [1], [0, 0, 1, 1], [], []>, precision = #tpu.contract_precision<fp32>, transpose_lhs_hint = false} : vector<224x224xf32>, vector<224x224xf32>, vector<224x224xf32> -> vector<224x224xf32>
    %add3A_73 = arith.addf %dot_general3A_67, %dot_general3A_72 : vector<224x224xf32>
    %swap3A = arith.constant 0 : index
    %swap3A_74 = arith.constant 0 : index
    %swap3A_75 = arith.constant 0 : index
    %swap3A_76 = arith.constant 0 : index
    %swap3A_77 = vector.load %arg11[%swap3A, %swap3A_74, %swap3A_75, %swap3A_76] : memref<1x1x224x224xf32, #tpu.memory_space<vmem>>, vector<1x1x224x224xf32>
    %swap3A_78 = vector.shape_cast %swap3A_77 : vector<1x1x224x224xf32> to vector<224x224xf32>
    %swap3A_79 = vector.shape_cast %add3A_73 : vector<224x224xf32> to vector<1x1x224x224xf32>
    tpu.vector_store %arg11[%swap3A, %swap3A_74, %swap3A_75, %swap3A_76], %swap3A_79 {strides = array<i32>} : memref<1x1x224x224xf32, #tpu.memory_space<vmem>>, vector<1x1x224x224xf32>,
    return
  }
  func.func @transform_0(%arg0: i32, %arg1: i32) -> (i32, i32, i32, i32) {
    %c0_i32 = arith.constant 0 : i32
    %c0_i32_0 = arith.constant 0 : i32
    %c0_i32_1 = arith.constant 0 : i32
    return %arg0, %arg1, %c0_i32, %c0_i32_0 : i32, i32, i32, i32
  }
  func.func @transform_1(%arg0: i32, %arg1: i32) -> (i32, i32, i32, i32) {
    %c0_i32 = arith.constant 0 : i32
    %c0_i32_0 = arith.constant 0 : i32
    %c0_i32_1 = arith.constant 0 : i32
    return %arg0, %arg1, %c0_i32, %c0_i32_0 : i32, i32, i32, i32
  }
  func.func @transform_2(%arg0: i32, %arg1: i32) -> (i32, i32) {
    %c0_i32 = arith.constant 0 : i32
    %c0_i32_0 = arith.constant 0 : i32
    %c0_i32_1 = arith.constant 0 : i32
    return %c0_i32, %c0_i32_0 : i32, i32
  }
  func.func @transform_3(%arg0: i32, %arg1: i32) -> (i32, i32) {
    %c0_i32 = arith.constant 0 : i32
    %c0_i32_0 = arith.constant 0 : i32
    %c0_i32_1 = arith.constant 0 : i32
    return %c0_i32, %c0_i32_0 : i32, i32
  }
  func.func @transform_4(%arg0: i32, %arg1: i32) -> (i32, i32) {
    %c0_i32 = arith.constant 0 : i32
    %c0_i32_0 = arith.constant 0 : i32
    %c0_i32_1 = arith.constant 0 : i32
    return %c0_i32, %c0_i32_0 : i32, i32
  }
  func.func @transform_5(%arg0: i32, %arg1: i32) -> (i32, i32) {
    %c0_i32 = arith.constant 0 : i32
    %c0_i32_0 = arith.constant 0 : i32
    %c0_i32_1 = arith.constant 0 : i32
    return %c0_i32, %c0_i32_0 : i32, i32
  }
  func.func @transform_6(%arg0: i32, %arg1: i32) -> (i32, i32) {
    %c0_i32 = arith.constant 0 : i32
    %c0_i32_0 = arith.constant 0 : i32
    %c0_i32_1 = arith.constant 0 : i32
    return %c0_i32, %c0_i32_0 : i32, i32
  }
  func.func @transform_7(%arg0: i32, %arg1: i32) -> (i32, i32) {
    %c0_i32 = arith.constant 0 : i32
    %c0_i32_0 = arith.constant 0 : i32
    %c0_i32_1 = arith.constant 0 : i32
    return %c0_i32, %c0_i32_0 : i32, i32
  }
  func.func @transform_8(%arg0: i32, %arg1: i32) -> (i32, i32) {
    %c0_i32 = arith.constant 0 : i32
    %c0_i32_0 = arith.constant 0 : i32
    %c0_i32_1 = arith.constant 0 : i32
    return %c0_i32, %c0_i32_0 : i32, i32
  }
  func.func @transform_9(%arg0: i32, %arg1: i32) -> (i32, i32, i32, i32) {
    %c0_i32 = arith.constant 0 : i32
    %c0_i32_0 = arith.constant 0 : i32
    %c0_i32_1 = arith.constant 0 : i32
    return %arg0, %arg1, %c0_i32, %c0_i32_0 : i32, i32, i32, i32
  }
}

module attributes {stable_mosaic.version = 14 : i64} {
  func.func @_proj_out_kernel(%arg0: i32, %arg1: i32, %arg2: memref<1x16x6272xf32, #tpu.memory_space<vmem>>, %arg3: memref<192x16xf32, #tpu.memory_space<vmem>>, %arg4: memref<1x192x6272xf32, #tpu.memory_space<vmem>>, %arg5: memref<1x192x6272xf32, #tpu.memory_space<vmem>>) attributes {dimension_semantics = [#tpu.dimension_semantics<arbitrary>, #tpu.dimension_semantics<arbitrary>], iteration_bounds = array<i64: 4, 8>, scalar_prefetch = 0 : i64, scratch_operands = 0 : i64, tpu.core_type = #tpu.core_type<tc>, window_params = [{transform_indices = @transform_0, window_bounds = array<i64: 1, 16, 6272>}, {pipeline_mode = #tpu.pipeline_mode<synchronous>, transform_indices = @transform_1, window_bounds = array<i64: 192, 16>}, {transform_indices = @transform_2, window_bounds = array<i64: 1, 192, 6272>}, {transform_indices = @transform_3, window_bounds = array<i64: 1, 192, 6272>}]} {
    %get3A = arith.constant 0 : index
    %get3A_0 = arith.constant 0 : index
    %get3A_1 = arith.constant 0 : index
    %get3A_2 = vector.load %arg4[%get3A, %get3A_0, %get3A_1] : memref<1x192x6272xf32, #tpu.memory_space<vmem>>, vector<1x192x6272xf32>
    %get3A_3 = vector.shape_cast %get3A_2 : vector<1x192x6272xf32> to vector<192x6272xf32>
    %get3A_4 = arith.constant 0 : index
    %get3A_5 = arith.constant 0 : index
    %get3A_6 = vector.load %arg3[%get3A_4, %get3A_5] : memref<192x16xf32, #tpu.memory_space<vmem>>, vector<192x16xf32>
    %get3A_7 = arith.constant 0 : index
    %get3A_8 = arith.constant 0 : index
    %get3A_9 = arith.constant 0 : index
    %get3A_10 = vector.load %arg2[%get3A_7, %get3A_8, %get3A_9] : memref<1x16x6272xf32, #tpu.memory_space<vmem>>, vector<1x16x6272xf32>
    %get3A_11 = vector.shape_cast %get3A_10 : vector<1x16x6272xf32> to vector<16x6272xf32>
    %dot_general3A = arith.constant dense<0.000000e+00> : vector<192x6272xf32>
    %dot_general3A_12 = tpu.matmul %get3A_6, %get3A_11, %dot_general3A {dimension_numbers = #tpu.dot_dimension_numbers<[1], [0], [0], [1], [0, 0, 1, 1], [], []>, precision = #tpu.contract_precision<fp32>, transpose_lhs_hint = false} : vector<192x16xf32>, vector<16x6272xf32>, vector<192x6272xf32> -> vector<192x6272xf32>
    %add3A = arith.addf %get3A_3, %dot_general3A_12 : vector<192x6272xf32>
    %swap3A = arith.constant 0 : index
    %swap3A_13 = arith.constant 0 : index
    %swap3A_14 = arith.constant 0 : index
    %swap3A_15 = vector.load %arg5[%swap3A, %swap3A_13, %swap3A_14] : memref<1x192x6272xf32, #tpu.memory_space<vmem>>, vector<1x192x6272xf32>
    %swap3A_16 = vector.shape_cast %swap3A_15 : vector<1x192x6272xf32> to vector<192x6272xf32>
    %swap3A_17 = vector.shape_cast %add3A : vector<192x6272xf32> to vector<1x192x6272xf32>
    tpu.vector_store %arg5[%swap3A, %swap3A_13, %swap3A_14], %swap3A_17 {strides = array<i32>} : memref<1x192x6272xf32, #tpu.memory_space<vmem>>, vector<1x192x6272xf32>,
    return
  }
  func.func @transform_0(%arg0: i32, %arg1: i32) -> (i32, i32, i32) {
    %c0_i32 = arith.constant 0 : i32
    %c0_i32_0 = arith.constant 0 : i32
    return %arg0, %c0_i32, %arg1 : i32, i32, i32
  }
  func.func @transform_1(%arg0: i32, %arg1: i32) -> (i32, i32) {
    %c0_i32 = arith.constant 0 : i32
    %c0_i32_0 = arith.constant 0 : i32
    %c0_i32_1 = arith.constant 0 : i32
    return %c0_i32, %c0_i32_0 : i32, i32
  }
  func.func @transform_2(%arg0: i32, %arg1: i32) -> (i32, i32, i32) {
    %c0_i32 = arith.constant 0 : i32
    %c0_i32_0 = arith.constant 0 : i32
    return %arg0, %c0_i32, %arg1 : i32, i32, i32
  }
  func.func @transform_3(%arg0: i32, %arg1: i32) -> (i32, i32, i32) {
    %c0_i32 = arith.constant 0 : i32
    %c0_i32_0 = arith.constant 0 : i32
    return %arg0, %c0_i32, %arg1 : i32, i32, i32
  }
}

</mosaic_0001>

<sc_bundles>
// kernel: sparse-core-data-format-call.cloned.1.call-start
scs
called_computation_lowered:
.L_overlay_start_0:
0x0: {  	s1 =	sld [smem:$0x3FD9]  }
0x1: {  	s2 =	sld [smem:$0x3FFE];
	_ =	sdelay $0x1  }
0x2: {  	s3 =	srdreg.scid  }
0x3: {  	s0 =	sand.u32 $0x1, s3  }
0x4: {  	s17 =	sshll.u32 s0, $0xA;
	s1 =	sadd.s32 s2, s1  }
0x5: {  	s1 =	sadd.s32 s1, s17  }
0x6: {  	[smem:$0x3FC5] =	sst s1  }
0x7: {  	_ = 	snop  }
0x8: {  	(tm) =	ssettm $0x1  }
0x9: {  	s18 =	sld [smem:$0x3FFB];
	_ =	sdelay $0x3  }
0xa: {  	_ =	strace s18  }
0xb: {  	s1 =	sld [smem:$0x3FFC];
	_ =	sdelay $0x3  }
0xc: {  	_ =	strace s1  }
0xd: {  	s1 =	sld [smem:$0x3FFD];
	_ =	sdelay $0x3  }
0xe: {  	_ =	strace s1  }
0xf: {  	_ =	strace $0x8FFFFFFF  }
0x10: {  	s19 =	sld [smem:$0x3FDB];
	_ =	sdelay $0x1  }
0x11: {  	s20 =	simm.s32 $_scs_section_size  }
0x12: {  	s4 =	simm.s32 $_size__tile_overlayer_lowered;
	s5 =	simm.s32 $_tile_overlayer_lowered  }
0x13: {  	s23 =	simm.s32 $0x1BFF;
	s22 =	sshll.u32 s5, $0x1;
	s1 =	sadd.s32 s20, s19  }
0x14: {  	s6 =	simm.s32 $0x0;
	s21 =	sshll.u32 s4, $0x1;
	s4 =	sadd.s32 s22, s1  }
0x15: {  	[timem:s6], [sflag:s23] =	dma.local [hbm:s4], s21  }
0x16: {  	_ =	swait.ge [sflag:s23], s21  }
0x17: {  	s2 =	ssub.s32 $0x0, s21;
	[sflag:s23] =	ssyncset.done $0x0  }
0x18: {  	[sflag:s23] =	ssyncadd.s32 s2;
	_ =	sdelay $0x1  }
0x19: {  	s24 =	simm.s32 $0x1B8B  }
0x1a: {  	_ =	swait.ge [sflag:s24], $0x1  }
0x1b: {  	[sflag:s24] =	ssyncset.done $0x0  }
0x1c: {  	s26 =	simm.s32 $0x1B8E;
	s25 =	sld [smem:$0x3FFE];
	[sflag:s24] =	ssyncadd.s32 $0xFFFFFFFF  }
0x1d: {  	s27 =	simm.s32 $execute0_lowered;
	[smem:$0x3FD2] =	sst s26  }
0x1e: {  	s4 =	sshll.u32 s27, $0x1;
	_ =	strace $0x80000046;
	[dreg:$0x1] =	wrdreg $0xFFFFFFFF  }
0x1f: {  	s28 =	simm.s32 $_size_execute0_lowered;
	s1 =	sadd.s32 s1, s4;
	[dreg:$0x0] =	wrdreg $0x0  }
0x20: {  	s4 =	sshll.u32 s28, $0x1;
	[dreg:$0x2] =	wrdreg s1  }
0x21: {  	[dreg:$0x3] =	wrdreg s4  }
0x22: {  	[dreg:$0x4] =	wrdreg $0xC0  }
0x23: {  	_ =	task [dreg:s6], $0x5FFFF  }
0x24: {  	[dreg:$0x1] =	wrdreg $0xFFFFFFFF  }
0x25: {  	[dreg:$0x0] =	wrdreg $0x60  }
0x26: {  	[dreg:$0x2] =	wrdreg s25  }
0x27: {  	[dreg:$0x3] =	wrdreg $0x9  }
0x28: {  	_ =	task.clear_ibuf [dreg:s6], $0x4FFFF;
	_ =	strace $0x90000046  }
0x29: {  	s29 =	simm.s32 $0x9;
	_ =	strace $0x80000048  }
0x2a: {  	_ =	swait.ge [sflag:s29], $0x1  }
0x2b: {  	[sflag:s29] =	ssyncadd.s32 $0xFFFFFFFF  }
0x2c: {  	_ =	strace $0x90000048  }
0x2d: {  	_ =	sfence  }
0x2e: {  	s30 =	sld [smem:$0x0];
	_ =	sdelay $0x2  }
0x2f: {  	s31 =	sshll.u32 s3, $0xD;
	s3 =	sshrl.u32 s3, $0x2  }
0x30: {  	s2 =	sand.u32 $0x4000, s31;
	s1 =	sadd.s32 s3, s30  }
0x31: {  	s0 =	sor.u32 s2, s0;
	s1 =	sshll.u32 s1, $0x11  }
0x32: {  	s0 =	sor.u32 s1, s0  }
0x33: {  	s0 =	sadd.s32 $0x8F2B, s0  }
0x34: {  	[sflag:s0] =	ssyncadd.remote.s32 $0x1  }
0x35: {  	_ =	sfence.sel $0xFFFF  }
0x36: {  	[dreg:$0x0] =	wrdreg $0xFFFFFFFF;
	(pc) =	sbr.abs _section_cstart, $3  }
0x37: {  	[dreg:$0x1] =	wrdreg $0xFFFFFFFF  }
0x38: {  	_ =	task.clear_ibuf [dreg:s6], $0x2FFFF;
	_ =	strace $0x9FFFFFFF  }
0x39: {  	(tm) =	ssettm $0x7FFFFFFF  }
tec
execute0_lowered:
.L_overlay_start_1:
0x0: {  	(tag) =	ssettag $0x1  }
0x1: {  	s0 =	stileid.u32  }
0x2: {  	s1 =	srdreg.scid;
	s4 =	rddreg [dreg:$0x0]  }
0x3: {  	s5 =	simm.s32 $0x1;
	s9 =	simm.s32 $0x2;
	s14 =	simm.s32 $0x0  }
0x4: {  	s13 =	simm.s32 $0x0;
	s2 =	sshll.u32 s0, $0x6;
	s3 =	sshll.u32 s1, $0xA  }
0x5: {  	s12 =	simm.s32 $0x0;
	s1 =	rddreg [dreg:$0x1];
	s2 =	sor.u32 s2, s3  }
0x6: {  	_ =	strace $0x80000047;
	s7 =	sshll.u32 s0, $0x7;
	s2 =	sand.u32 $0x780, s2  }
0x7: {  	s3 =	sadd.s32 $0x1A00, s4;
	s4 =	sadd.s32 $0x11B600, s4;
	s6 =	ssub.s32 $0xC400, s2  }
.Ltmp0:
0x8: {  	[sflag:s5] =	ssyncpa.u1 $0x0;
	s8 =	sand.u32 $0x780, s6;
	(pc) =	sbr.rel .LBB1_1-.Ltmp0, $4  }
0x9: {  	[sflag:s9] =	ssyncpa.u1 $0x0;
	p0 =	sne.s32 s8, $0x0;
	s8 =	simm.s32 $0x1  }
0xa: {  	s10 =	sshrl.u32 s6, $0xB;
	s6 =	sand.u32 $0x80, s7;
	s8 =	simm.s32 @!p0 $0x0  }
0xb: {  	s9 =	simm.s32 $0x800;
	s11 =	smov.u32 s6;
	s7 =	sadd.s32 s8, s10  }
0xc: {  	p0 =	por $0x0, $0x0;
	s10 =	smov.u32 s2;
	s8 =	sadd.s32 $0x1, s7  }
.LBB1_4:
0xd: {  	s20 =	sshll.u32 s14, $0x8;
	s21 =	sshll.u32 s13, $0x3  }
0xe: {  	v5 =	vld [tilespmem:s18+$0xFFFFFFD0];
	[tilespmem:s17+$0x2040 ss:$0x81] =	vst.msk $0xffff, v4;
	s25 =	sshll.u32 s14, $0x7;
	s20 =	sand.u32 $0xFFFFF800, s20;
	s21 =	sand.u32 $0xFFFFFC00, s21  }
0xf: {  	v58 =	vld [tilespmem:s18+$0xFFFFFFE0];
	[tilespmem:s17+$0x2850 ss:$0x81] =	vst.msk $0xffff, v3;
	s26 =	sand.u32 $0x300, s25;
	s20 =	sadd.s32 s21, s20  }
0x10: {  	s19 =	sshra.s32 s19, $0x2;
	v59 =	vld [tilespmem:s18+$0xFFFFFFF0];
	[tilespmem:s17+$0x3060 ss:$0x81] =	vst.msk $0xffff, v2;
	s20 =	sor.u32 s26, s20  }
0x11: {  	v60 =	vld [tilespmem:s18+$0x0];
	[tilespmem:s17+$0x0 ss:$0x81] =	vst.msk $0xffff, v0;
	s16 =	sadd.s32 s19, s16;
	s27 =	sshrl.u32 s20, $0x8  }
0x12: {  	v61 =	vld [tilespmem:s18+$0x10];
	[tilespmem:s16+$0x3870 ss:$0x81] =	vst.msk $0xffff, v1;
	s28 =	smulhi.u32 $0x14E5E0B, s27  }
0x13: {  	v62 =	vld [tilespmem:s18+$0x20];
	[tilespmem:s16+$0x810 ss:$0x81] =	vst.msk $0xffff, v5  }
0x14: {  	v63 =	vld [tilespmem:s18+$0xFFFFFFC0];
	[tilespmem:s16+$0x1020 ss:$0x81] =	vst.msk $0xffff, v58;
	s29 =	sshrl.u32 s28, $0x8  }
0x15: {  	s30 =	sand.u32 $0x78, s13;
	s14 =	sand.u32 $0x80, s25;
	[tilespmem:s16+$0x1830 ss:$0x81] =	vst.msk $0xffff, v59;
	s18 =	smul.u32 $0xC400, s29  }
0x16: {  	s14 =	sor.u32 s30, s14;
	[tilespmem:s16+$0x2040 ss:$0x81] =	vst.msk $0xffff, v60  }
0x17: {  	s31 =	sand.u32 $0x7, s13;
	s14 =	sshrl.u32 s14, $0x3;
	[tilespmem:s16+$0x2850 ss:$0x81] =	vst.msk $0xffff, v61;
	s17 =	ssub.s32 s27, s18  }
0x18: {  	s13 =	sshll.u32 s31, $0x12;
	s14 =	sadd.s32 s4, s14;
	[tilespmem:s16+$0x3060 ss:$0x81] =	vst.msk $0xffff, v62;
	s17 =	sshll.u32 s17, $0x5  }
0x19: {  	s13 =	sor.u32 $0x400, s13;
	[tilespmem:s16+$0x0 ss:$0x81] =	vst.msk $0xffff, v63;
	s14 =	sadd.s32 s17, s14  }
0x1a: {  	[hbm4b:s14+s13] =	stream.strided.scatter [tilespmem:s15], [sflag:$0x2], $0x4000, s9, s13, $0x20;
	[tilespmem:$0x10100] =	vst v63  }
.LBB1_5:
0x1b: {  	s15 =	sadd.s32 $0x800, s10  }
0x1c: {  	s13 =	sadd.s32 $0x100, s11;
	s17 =	smov.u32 s11;
	p2 =	sgt.s32 s15, $0xC3FF  }
0x1d: {  	s17 =	smov.u32 @p2 s13  }
0x1e: {  	s15 =	smov.u32 @p2 s2;
	p2 =	sgt.s32 s17, $0xB3  }
0x1f: {  	s17 =	smov.u32 @p2 s6;
	p2 =	sne.s32 s12, s8  }
.Ltmp1:
0x20: {  	p1 =	slt.u32 s12, $0x2;
	(pc) =	sbr.rel @!p2 .LBB1_6-.Ltmp1, $4  }
0x21: {  	s16 =	simm.s32 @!p1 $0x2  }
0x22: {  	s14 =	smov.u32 s10;
	p0 =	por !p0, !p0;
	_ =	swait.ge @!p1 [sflag:s16], $0x4000  }
0x23: {  	s13 =	smov.u32 s11;
	[sflag:s16] =	ssyncset.done @!p1 $0x0;
	s10 =	smov.u32 s15  }
0x24: {  	s12 =	sadd.s32 $0x1, s12;
	[sflag:s16] =	ssyncadd.s32 @!p1 $0xFFFFC000;
	s11 =	smov.u32 s17  }
.LBB1_1:
0x25: {  	p1 =	sge.u32 s12, s7  }
0x26: {  	s20 =	smov.u32 s10;
	s31 =	sadd.s32 $0xFFFFFFFF, s12;
	s15 =	sshrl.u32 @!p1 s11, $0x3  }
0x27: {  	s16 =	sshll.u32 @!p1 s10, $0x3;
	s17 =	sshll.u32 @!p1 s11, $0x7;
	s18 =	sand.u32 @!p1 $0x7F, s10  }
0x28: {  	p2 =	sgt.s32 @!p1 s11, $0x38;
	s19 =	sshra.s32 @!p1 s11, $0x1F;
	s15 =	smul.u32 @!p1 $0x62000, s15  }
0x29: {  	s21 =	sshra.s32 @!p1 s10, $0x1F;
	s16 =	sand.u32 @!p1 $0xFFFFFC00, s16;
	s17 =	sand.u32 @!p1 $0x380, s17  }
0x2a: {  	p2 =	por !p2, p1;
	s15 =	sadd.s32 @!p1 s15, s16;
	s16 =	sor.u32 @!p1 s18, s17  }
0x2b: {  	s19 =	sand.u32 @!p1 s19, s11;
	s18 =	smov.u32 s11;
	s16 =	sor.u32 @!p1 s15, s16  }
0x2c: {  	s15 =	smulhi.u32 @!p1 $0x5397829D, s15;
	s18 =	simm.s32 @p2 $0x38;
	p2 =	sgt.s32 @!p1 s10, $0xC380  }
0x2d: {  	s21 =	sand.u32 @!p1 s21, s10;
	s17 =	smulhi.u32 @!p1 $0x5397829D, s16;
	p2 =	por !p2, p1  }
0x2e: {  	s18 =	ssub.s32 @!p1 s18, s19;
	s20 =	simm.s32 @p2 $0xC380;
	s15 =	sshrl.u32 @!p1 s15, $0xE  }
0x2f: {  	s17 =	sshrl.u32 @!p1 s17, $0xE;
	s19 =	ssub.s32 @!p1 s20, s21;
	s20 =	smulhi.u32 @!p1 $0x1642C86, s15  }
0x30: {  	s21 =	sadd.s32 @!p1 $0xFFFFFFC8, s18;
	s18 =	ssub.s32 @!p1 $0xB8, s18;
	s17 =	smul.u32 @!p1 $0xC400, s17  }
0x31: {  	s22 =	sadd.s32 @!p1 $0xFFFF3C80, s19;
	p2 =	sgt.s32 @!p1 s21, $0x7F;
	s19 =	ssub.s32 @!p1 $0xC400, s19  }
0x32: {  	p3 =	sgt.s32 @!p1 s22, $0x7F;
	s20 =	smul.u32 @!p1 $0xB8, s20;
	p2 =	por !p2, p1  }
0x33: {  	s16 =	ssub.s32 @!p1 s16, s17;
	s17 =	sxor.u32 @!p1 $0xFFFFFFFF, s12;
	p3 =	por !p3, p1  }
0x34: {  	s18 =	simm.s32 @!p2 $0x0;
	s17 =	sshll.u32 @!p1 s17, $0xE;
	s19 =	simm.s32 @!p3 $0x0  }
0x35: {  	s15 =	ssub.s32 @!p1 s15, s20;
	s17 =	sand.u32 @!p1 $0x4000, s17;
	s18 =	smul.u32 @!p1 s18, s19  }
0x36: {  	s15 =	smul.u32 @!p1 $0x1880, s15;
	s19 =	sshrl.u32 @!p1 s16, $0x3;
	s16 =	sand.u32 @!p1 $0x7, s16  }
0x37: {  	s19 =	sadd.s32 @!p1 s3, s19;
	s16 =	sshll.u32 @!p1 s16, $0x12;
	s18 =	sand.u32 @!p1 $0x3FFFFFFF, s18  }
0x38: {  	s15 =	sadd.s32 @!p1 s15, s19;
	s16 =	sor.u32 @!p1 $0x400, s16;
	s19 =	simm.s32 @!p1 $0x62000  }
0x39: {  	[tilespmem:s17], [sflag:$0x1] =	stream.strided.gather @!p1 [hbm4b:s15+s16], s18, s19, s16, $0x38;
	[tilespmem:$0x10100] =	vst v63  }
0x3a: {  	p1 =	sge.u32 s31, s7  }
.Ltmp2:
0x3b: {  	_ = 	snop;
	(pc) =	sbr.rel @p1 .LBB1_5-.Ltmp2, $1  }
0x3c: {  	_ =	sdelay $0x3  }
0x3d: {  	p1 =	sgt.s32 s13, $0x38  }
0x3e: {  	s15 =	smov.u32 s13;
	s16 =	sshra.s32 s13, $0x1F;
	s17 =	smov.u32 s14  }
0x3f: {  	s18 =	sshra.s32 s14, $0x1F;
	s15 =	simm.s32 @!p1 $0x38;
	p1 =	sgt.s32 s14, $0xC380  }
0x40: {  	s16 =	sand.u32 s16, s13;
	s26 =	sand.u32 s18, s14;
	s17 =	simm.s32 @!p1 $0xC380  }
0x41: {  	s15 =	ssub.s32 s15, s16;
	s16 =	ssub.s32 s17, s26  }
0x42: {  	s27 =	sadd.s32 $0xFFFFFFC8, s15;
	s15 =	ssub.s32 $0xB8, s15;
	s17 =	sadd.s32 $0xFFFF3C80, s16  }
0x43: {  	p1 =	sgt.s32 s27, $0x7F;
	s16 =	ssub.s32 $0xC400, s16;
	p2 =	sgt.s32 s17, $0x7F  }
0x44: {  	s15 =	simm.s32 @p1 $0x0;
	s16 =	simm.s32 @p2 $0x0  }
0x45: {  	s15 =	smul.u32 s15, s16;
	_ =	sdelay $0x1  }
0x46: {  	s16 =	simm.s32 $0x1;
	s15 =	sand.u32 $0x3FFFFFFF, s15  }
0x47: {  	s16 =	simm.s32 @!p0 $0x0;
	_ =	swait.ge [sflag:s5], s15  }
0x48: {  	s28 =	sshll.u32 s16, $0xE;
	s15 =	ssub.s32 $0x0, s15;
	[sflag:s5] =	ssyncset.done $0x0  }
0x49: {  	s29 =	sor.u32 $0x40, s28;
	[sflag:s5] =	ssyncadd.s32 s15  }
0x4a: {  	s30 =	smul.u32 $0x10200, s16;
	v0 =	vld [tilespmem:s29+$0x30]  }
0x4b: {  	v1 =	vld [tilespmem:s29+$0xFFFFFFD0]  }
0x4c: {  	s15 =	sshrl.u32 s30, $0x2;
	v5 =	vld [tilespmem:s29+$0xFFFFFFE0]  }
0x4d: {  	s16 =	sor.u32 $0x8000, s15;
	v6 =	vld [tilespmem:s29+$0xFFFFFFF0]  }
0x4e: {  	s31 =	sand.u32 $0x1, s12;
	v4 =	vld [tilespmem:s29+$0x0];
	s17 =	sadd.s32 $0x0, s16  }
0x4f: {  	s15 =	smul.u32 $0x10200, s31;
	v3 =	vld [tilespmem:s29+$0x10];
	[tilespmem:s17+$0x3870 ss:$0x81] =	vst.msk $0xffff, v0  }
0x50: {  	v2 =	vld [tilespmem:s29+$0x20];
	[tilespmem:s17+$0x810 ss:$0x81] =	vst.msk $0xffff, v1  }
0x51: {  	s18 =	sadd.s32 $0x80, s29;
	s15 =	sshrl.u32 s15, $0x2;
	v0 =	vld [tilespmem:s29+$0xFFFFFFC0];
	[tilespmem:s17+$0x1020 ss:$0x81] =	vst.msk $0xffff, v5  }
0x52: {  	s19 =	simm.s32 $0x4;
	s20 =	simm.s32 $0x8;
	s15 =	sor.u32 $0x8000, s15;
	v1 =	vld [tilespmem:s18+$0x30];
	[tilespmem:s17+$0x1830 ss:$0x81] =	vst.msk $0xffff, v6  }
.LBB1_3:
0x53: {  	p1 =	sne.s32 s20, $0x1FC;
	v5 =	vld [tilespmem:s18+$0xFFFFFFD0];
	[tilespmem:s17+$0x2040 ss:$0x81] =	vst.msk $0xffff, v4  }
0x54: {  	v6 =	vld [tilespmem:s18+$0xFFFFFFE0];
	[tilespmem:s17+$0x2850 ss:$0x81] =	vst.msk $0xffff, v3  }
0x55: {  	s21 =	sshra.s32 s19, $0x2;
	s19 =	smov.u32 s20;
	v7 =	vld [tilespmem:s18+$0xFFFFFFF0];
	[tilespmem:s17+$0x3060 ss:$0x81] =	vst.msk $0xffff, v2  }
.Ltmp3:
0x56: {  	v4 =	vld [tilespmem:s18+$0x0];
	[tilespmem:s17+$0x0 ss:$0x81] =	vst.msk $0xffff, v0;
	s17 =	sadd.s32 s21, s16;
	(pc) =	sbr.rel @p1 .LBB1_3-.Ltmp3, $4  }
0x57: {  	v3 =	vld [tilespmem:s18+$0x10];
	[tilespmem:s17+$0x3870 ss:$0x81] =	vst.msk $0xffff, v1  }
0x58: {  	[tilespmem:s17+$0x810 ss:$0x81] =	vst.msk $0xffff, v5;
	v2 =	vld [tilespmem:s18+$0x20]  }
0x59: {  	v0 =	vld [tilespmem:s18+$0xFFFFFFC0];
	[tilespmem:s17+$0x1020 ss:$0x81] =	vst.msk $0xffff, v6;
	s18 =	sadd.s32 $0x80, s18  }
0x5a: {  	s20 =	sadd.s32 $0x4, s20;
	v1 =	vld [tilespmem:s18+$0x30];
	[tilespmem:s17+$0x1830 ss:$0x81] =	vst.msk $0xffff, v7  }
.Ltmp4:
0x5b: {  	_ = 	snop;
	(pc) =	sbr.rel .LBB1_4-.Ltmp4, $1  }
0x5c: {  	_ =	sdelay $0x3  }
.LBB1_6:
0x5d: {  	_ =	sfence.sel $0x180000  }
0x5e: {  	s2 =	simm.s32 $0x1;
	[bflag:$0x0] =	sbarrier.arrive $0xFFFF  }
0x5f: {  	s31 =	simm.s32 $0x2;
	[sflag:s2] =	ssyncpa.u1 $0x1  }
0x60: {  	[sflag:s31] =	ssyncpa.u1 $0x1  }
0x61: {  	p0 =	sne.s32 s0, $0x0;
	_ =	strace $0x90000047  }
0x62: {  	s0 =	sadd.s32 @!p0 $0x100000, s1;
	[bflag:$0x2] =	sbarrier.arrive $0xFFFF  }
0x63: {  	[sflag:s0] =	ssyncadd.tile.s32 @!p0 $0x1;
	_ =	shalt  }
.Lfunc_end1:
_tile_overlayer_lowered:
.L_overlay_start_2:
0x64: {  	(tag) =	ssettag $0x2  }
0x65: {  	s0 =	rddreg [dreg:$0x0];
	s2 =	stileid.u32  }
0x66: {  	s1 =	rddreg [dreg:$0x1];
	p0 =	sne.s32 s2, $0x0  }
0x67: {  	s3 =	rddreg [dreg:$0x2];
	[bflag:$0x3] =	sbarrier.arrive $0xFFFF;
	s2 =	simm.s32 @!p0 $0x1C01  }
0x68: {  	[timem:s3], [sflag:s2] =	dma.local @!p0 [hbm:s0], s1  }
0x69: {  	s0 =	simm.s32 @!p0 $0x1  }
0x6a: {  	_ =	swait.ge @!p0 [sflag:s0], s1  }
0x6b: {  	s1 =	ssub.s32 @!p0 $0x0, s1;
	[sflag:s0] =	ssyncset.done @!p0 $0x0  }
0x6c: {  	[sflag:s0] =	ssyncadd.s32 @!p0 s1  }
0x6d: {  	[bflag:$0x3] =	sbarrier.arrive $0xFFFF  }
0x6e: {  	_ =	shalt  }

</sc_bundles>
